<compile_context>
chip_gen: v7x
topology: tpu7x:2x2x1
jax: 0.10.2.dev20260603
libtpu: 0.0.44.dev20260713+nightly
codegen_flags: <defaults>
</compile_context>

<pallas_src>
import functools

import jax
import jax.numpy as jnp
from jax import lax
from jax.experimental import pallas as pl
from jax.experimental.pallas import tpu as pltpu
from jax.experimental.pallas import tpu_sc as plsc

N = 50000
CNT = 16
TP = N * CNT
D_OV = 256
D_PL = 64


def _celu(x):
    return jnp.where(x > 0, x, jnp.exp(x) - 1.0)


def _ln(x, g, b, eps=1e-5):
    m = jnp.mean(x, axis=-1, keepdims=True)
    v = jnp.mean((x - m) * (x - m), axis=-1, keepdims=True)
    return (x - m) * jax.lax.rsqrt(v + eps) * g + b


_RB1 = 400

def _tc_head_body(ov_ref, poly_ref, w1, b1, w2, b2, w3, b3, wo2p, bo2p,
                  g_ref, bln_ref, ovres_ref, pv_ref, pvb_ref):
    x = ov_ref[...]
    lin = _celu(jnp.dot(x, w1[...], preferred_element_type=jnp.float32) + b1[...])
    y = _celu(jnp.dot(lin, w2[...], preferred_element_type=jnp.float32) + b2[...])
    y = y * jnp.tanh(jnp.dot(y, w3[...], preferred_element_type=jnp.float32) + b3[...])
    ovres_ref[...] = x + y
    ofp = _celu(jnp.dot(x, wo2p[...], preferred_element_type=jnp.float32)
                + bo2p[...])
    pv = _ln(poly_ref[...] + ofp[:, None, :], g_ref[...], bln_ref[...])
    pv_ref[...] = pv
    pvb_ref[...] = pv.astype(jnp.bfloat16)


def _tc_head(ov, poly3, w1, b1, w2, b2, w3, b3, wo2p, bo2p, g, bln):
    nb = N // _RB1
    full = lambda shape: pl.BlockSpec(shape, lambda i: (0, 0))
    return pl.pallas_call(
        _tc_head_body,
        grid=(nb,),
        in_specs=[
            pl.BlockSpec((_RB1, D_OV), lambda i: (i, 0)),
            pl.BlockSpec((_RB1, CNT, D_PL), lambda i: (i, 0, 0)),
            full((D_OV, D_OV)), full((1, D_OV)),
            full((D_OV, D_OV)), full((1, D_OV)),
            full((D_OV, D_OV)), full((1, D_OV)),
            full((D_OV, D_PL)), full((1, D_PL)),
            full((1, D_PL)), full((1, D_PL)),
        ],
        out_specs=[
            pl.BlockSpec((_RB1, D_OV), lambda i: (i, 0)),
            pl.BlockSpec((_RB1, CNT, D_PL), lambda i: (i, 0, 0)),
            pl.BlockSpec((_RB1, CNT, D_PL), lambda i: (i, 0, 0)),
        ],
        out_shape=[
            jax.ShapeDtypeStruct((N, D_OV), jnp.float32),
            jax.ShapeDtypeStruct((N, CNT, D_PL), jnp.float32),
            jax.ShapeDtypeStruct((N, CNT, D_PL), jnp.bfloat16),
        ],
    )(ov, poly3, w1, b1, w2, b2, w3, b3, wo2p, bo2p, g, bln)


_PB = 6400
_NPB = TP // _PB

def _pconv_act(x_ref, gl_ref, gr_ref, w_ref, b_ref):
    w = w_ref[...]
    act = jnp.dot(x_ref[...], w[0:D_PL, :], preferred_element_type=jnp.float32)
    act += jnp.dot(gl_ref[...].astype(jnp.float32), w[D_PL:2 * D_PL, :],
                   preferred_element_type=jnp.float32)
    act += jnp.dot(gr_ref[...].astype(jnp.float32), w[2 * D_PL:, :],
                   preferred_element_type=jnp.float32)
    return act + b_ref[...]


def _tc_combine_celu_body(x_ref, gl_ref, gr_ref, w_ref, b_ref, out_ref, outb_ref):
    val = _celu(_pconv_act(x_ref, gl_ref, gr_ref, w_ref, b_ref))
    out_ref[...] = val
    outb_ref[...] = val.astype(jnp.bfloat16)


def _tc_final_body(x_ref, gl_ref, gr_ref, w_ref, b_ref, pv_ref,
                   g_ref, bln_ref, ovres_ref, wp2o_ref, bp2o_ref,
                   go_ref, bo_ref, out_ref, ovout_ref):
    y = x_ref[...] * jnp.tanh(_pconv_act(x_ref, gl_ref, gr_ref, w_ref, b_ref))
    pv_out = _ln(pv_ref[...] + y, g_ref[...], bln_ref[...])
    out_ref[...] = pv_out
    red = jnp.mean(pv_out.reshape(_PB // CNT, CNT, D_PL), axis=1)
    base = _celu(jnp.dot(red, wp2o_ref[...], preferred_element_type=jnp.float32)
                 + bp2o_ref[...])
    ovout_ref[...] = _ln(ovres_ref[...] + base, go_ref[...], bo_ref[...])


def _combine_specs(extra):
    return [
        pl.BlockSpec((_PB, D_PL), lambda i: (i, 0)),
        pl.BlockSpec((_PB, D_PL), lambda i: (i, 0)),
        pl.BlockSpec((_PB, D_PL), lambda i: (i + _NPB, 0)),
        pl.BlockSpec((3 * D_PL, D_PL), lambda i: (0, 0)),
        pl.BlockSpec((1, D_PL), lambda i: (0, 0)),
    ] + extra


def _tc_combine_celu(x, gath, w, b):
    return pl.pallas_call(
        _tc_combine_celu_body,
        grid=(_NPB,),
        in_specs=_combine_specs([]),
        out_specs=[
            pl.BlockSpec((_PB, D_PL), lambda i: (i, 0)),
            pl.BlockSpec((_PB, D_PL), lambda i: (i, 0)),
        ],
        out_shape=[
            jax.ShapeDtypeStruct((TP, D_PL), jnp.float32),
            jax.ShapeDtypeStruct((TP, D_PL), jnp.bfloat16),
        ],
    )(x, gath, gath, w, b)


def _tc_final(x, gath, w, b, pv, g, bln, ovres, wp2o, bp2o, go, bo):
    nitem = _PB // CNT
    return pl.pallas_call(
        _tc_final_body,
        grid=(_NPB,),
        in_specs=_combine_specs([
            pl.BlockSpec((_PB, D_PL), lambda i: (i, 0)),
            pl.BlockSpec((1, D_PL), lambda i: (0, 0)),
            pl.BlockSpec((1, D_PL), lambda i: (0, 0)),
            pl.BlockSpec((nitem, D_OV), lambda i: (i, 0)),
            pl.BlockSpec((D_PL, D_OV), lambda i: (0, 0)),
            pl.BlockSpec((1, D_OV), lambda i: (0, 0)),
            pl.BlockSpec((1, D_OV), lambda i: (0, 0)),
            pl.BlockSpec((1, D_OV), lambda i: (0, 0)),
        ]),
        out_specs=[
            pl.BlockSpec((_PB, D_PL), lambda i: (i, 0)),
            pl.BlockSpec((nitem, D_OV), lambda i: (i, 0)),
        ],
        out_shape=[
            jax.ShapeDtypeStruct((TP, D_PL), jnp.float32),
            jax.ShapeDtypeStruct((N, D_OV), jnp.float32),
        ],
    )(x, gath, gath, w, b, pv, g, bln, ovres, wp2o, bp2o, go, bo)



_SC_NC = 2
_SC_NS = 16
_SC_NW = _SC_NC * _SC_NS
_SC_ROWS = 2 * TP
_SC_PERW = TP // _SC_NW
_SC_C = 1000
_SC_NCHUNK = _SC_PERW // _SC_C


def _sc_gather_body(table_hbm, idxl_hbm, idxr_hbm, out_hbm,
                    idx0, idx1, buf0, buf1, gs0, gs1, ws0, ws1):
    wid = lax.axis_index("s") * _SC_NC + lax.axis_index("c")
    in_base = wid * _SC_PERW
    bufs = ((idx0, buf0, gs0, ws0), (idx1, buf1, gs1, ws1))

    def run_side(idx_hbm, out_base):
        def issue(i, idx_v, buf_v, gsem):
            pltpu.sync_copy(idx_hbm.at[pl.ds(in_base + i * _SC_C, _SC_C)], idx_v)
            pltpu.make_async_copy(table_hbm.at[idx_v], buf_v, gsem).start()

        def complete(i, idx_v, buf_v, gsem, wsem):
            pltpu.make_async_copy(table_hbm.at[idx_v], buf_v, gsem).wait()
            pltpu.make_async_copy(
                buf_v, out_hbm.at[pl.ds(out_base + i * _SC_C, _SC_C)], wsem
            ).start()

        def wait_write(i, buf_v, wsem):
            pltpu.make_async_copy(
                buf_v, out_hbm.at[pl.ds(out_base + i * _SC_C, _SC_C)], wsem
            ).wait()

        issue(0, *bufs[0][:3])

        def body(i, carry):
            p = i % 2

            @pl.when(p == 0)
            def _():
                @pl.when(i >= 2)
                def _():
                    wait_write(i - 2, bufs[0][1], bufs[0][3])
                issue(i, *bufs[0][:3])
                complete(i - 1, *bufs[1])

            @pl.when(p == 1)
            def _():
                @pl.when(i >= 2)
                def _():
                    wait_write(i - 2, bufs[1][1], bufs[1][3])
                issue(i, *bufs[1][:3])
                complete(i - 1, *bufs[0])

            return carry

        lax.fori_loop(1, _SC_NCHUNK, body, 0)
        last = _SC_NCHUNK - 1
        complete(last, *bufs[last % 2])
        wait_write(last - 1, bufs[(last - 1) % 2][1], bufs[(last - 1) % 2][3])
        wait_write(last, bufs[last % 2][1], bufs[last % 2][3])

    run_side(idxl_hbm, in_base)
    run_side(idxr_hbm, TP + in_base)


@jax.jit
def _sc_gather(table, idxl, idxr):
    mesh = plsc.VectorSubcoreMesh(core_axis_name="c", subcore_axis_name="s")
    return pl.kernel(
        _sc_gather_body,
        mesh=mesh,
        compiler_params=pltpu.CompilerParams(use_tc_tiling_on_sc=False),
        out_type=jax.ShapeDtypeStruct((_SC_ROWS, D_PL), jnp.bfloat16),
        scratch_types=[
            pltpu.VMEM((_SC_C,), jnp.int32),
            pltpu.VMEM((_SC_C,), jnp.int32),
            pltpu.VMEM((_SC_C, D_PL), jnp.bfloat16),
            pltpu.VMEM((_SC_C, D_PL), jnp.bfloat16),
            pltpu.SemaphoreType.DMA,
            pltpu.SemaphoreType.DMA,
            pltpu.SemaphoreType.DMA,
            pltpu.SemaphoreType.DMA,
        ],
    )(table, idxl, idxr)



def kernel(overall_values, poly_value, counts, prefix_sum_counts,
           item_to_left_idxs, item_to_right_idxs,
           W_o2p, b_o2p, ov_W1, ov_b1, ov_W2, ov_b2, ov_W3, ov_b3,
           ln_poly_g, ln_poly_b, pc_W1, pc_b1, pc_W2, pc_b2, pc_W3, pc_b3,
           ln_pb_g, ln_pb_b, W_p2o, b_p2o, empty, ln_out_g, ln_out_b):
    r1 = lambda v: v.reshape(1, -1)
    idxl, idxr = item_to_left_idxs, item_to_right_idxs

    ovres, pv3, pvb3 = _tc_head(overall_values, poly_value.reshape(N, CNT, D_PL),
                                ov_W1, r1(ov_b1), ov_W2, r1(ov_b2),
                                ov_W3, r1(ov_b3),
                                W_o2p, r1(b_o2p), r1(ln_poly_g), r1(ln_poly_b))
    pv = pv3.reshape(TP, D_PL)

    g = _sc_gather(pvb3.reshape(TP, D_PL), idxl, idxr)
    lin2, lin2b = _tc_combine_celu(pv, g, pc_W1, r1(pc_b1))

    g = _sc_gather(lin2b, idxl, idxr)
    y2, y2b = _tc_combine_celu(lin2, g, pc_W2, r1(pc_b2))

    g = _sc_gather(y2b, idxl, idxr)
    pv_out, ov_out = _tc_final(y2, g, pc_W3, r1(pc_b3), pv,
                               r1(ln_pb_g), r1(ln_pb_b), ovres,
                               W_p2o, r1(b_p2o), r1(ln_out_g), r1(ln_out_b))
    return ov_out, pv_out

# --- scband reference (transcript-rebuilt; emitter-appended) ---
"""Pipeline reference for scband-net-76957224010384 (READ-ONLY COPY).

The authoritative reference and input builder live on the scoring server;
editing this copy changes nothing except your own understanding.
"""

import jax, jax.numpy as jnp
import numpy as np

N = 50000
CNT = 16
TP = N * CNT
D_OV = 256
D_PL = 64

def _ln(x, g, b, eps=1e-5):
    m = jnp.mean(x, axis=-1, keepdims=True)
    v = jnp.var(x, axis=-1, keepdims=True)
    return (x - m) / jnp.sqrt(v + eps) * g + b

def setup_inputs(seed: int = 0):
    key = jax.random.key(seed)
    ks = jax.random.split(key, 24)
    def nrm(k, shape, scale=0.05):
        return jax.random.normal(k, shape, dtype=jnp.float32) * scale
    inp = {}
    inp['overall_values'] = jax.random.normal(ks[0], (N, D_OV), dtype=jnp.float32)
    inp['poly_value'] = jax.random.normal(ks[1], (TP, D_PL), dtype=jnp.float32)
    inp['counts'] = jnp.full((N,), CNT, dtype=jnp.int32)
    inp['prefix_sum_counts'] = jnp.arange(N + 1, dtype=jnp.int32) * CNT
    inp['item_to_left_idxs'] = jax.random.randint(ks[2], (TP,), 0, TP, dtype=jnp.int32)
    inp['item_to_right_idxs'] = jax.random.randint(ks[3], (TP,), 0, TP, dtype=jnp.int32)
    inp['W_o2p'] = nrm(ks[4], (D_OV, D_PL)); inp['b_o2p'] = jnp.zeros((D_PL,), jnp.float32)
    inp['ov_W1'] = nrm(ks[5], (D_OV, D_OV)); inp['ov_b1'] = jnp.zeros((D_OV,), jnp.float32)
    inp['ov_W2'] = nrm(ks[6], (D_OV, D_OV)); inp['ov_b2'] = jnp.zeros((D_OV,), jnp.float32)
    inp['ov_W3'] = nrm(ks[7], (D_OV, D_OV)); inp['ov_b3'] = jnp.zeros((D_OV,), jnp.float32)
    inp['ln_poly_g'] = jnp.ones((D_PL,), jnp.float32); inp['ln_poly_b'] = jnp.zeros((D_PL,), jnp.float32)
    inp['pc_W1'] = nrm(ks[8], (3 * D_PL, D_PL)); inp['pc_b1'] = jnp.zeros((D_PL,), jnp.float32)
    inp['pc_W2'] = nrm(ks[9], (3 * D_PL, D_PL)); inp['pc_b2'] = jnp.zeros((D_PL,), jnp.float32)
    inp['pc_W3'] = nrm(ks[10], (3 * D_PL, D_PL)); inp['pc_b3'] = jnp.zeros((D_PL,), jnp.float32)
    inp['ln_pb_g'] = jnp.ones((D_PL,), jnp.float32); inp['ln_pb_b'] = jnp.zeros((D_PL,), jnp.float32)
    inp['W_p2o'] = nrm(ks[11], (D_PL, D_OV)); inp['b_p2o'] = jnp.zeros((D_OV,), jnp.float32)
    inp['empty'] = jnp.zeros((D_OV,), jnp.float32)
    inp['ln_out_g'] = jnp.ones((D_OV,), jnp.float32); inp['ln_out_b'] = jnp.zeros((D_OV,), jnp.float32)
    return inp

def reference(overall_values, poly_value, counts, prefix_sum_counts, item_to_left_idxs, item_to_right_idxs, W_o2p, b_o2p, ov_W1, ov_b1, ov_W2, ov_b2, ov_W3, ov_b3, ln_poly_g, ln_poly_b, pc_W1, pc_b1, pc_W2, pc_b2, pc_W3, pc_b3, ln_pb_g, ln_pb_b, W_p2o, b_p2o, empty, ln_out_g, ln_out_b):
    celu = jax.nn.celu
    # overall_to_poly projection
    ofp = celu(overall_values @ W_o2p + b_o2p)
    # overall ResBlock (use_norm=False, pad_size=0)
    lin = celu(overall_values @ ov_W1 + ov_b1)
    y = celu(lin @ ov_W2 + ov_b2)
    y = y * jnp.tanh(y @ ov_W3 + ov_b3)
    ov = overall_values + y
    # values_to_poly_points: repeat_interleave per-item features to each poly point
    pv = poly_value + jnp.repeat(ofp, counts, axis=0, total_repeat_length=TP)
    pv = _ln(pv, ln_poly_g, ln_poly_b)
    # PolyBlock = ResBlock with PolyConv linear blocks (gather left/right neighbor rows)
    def pconv(x, W, b):
        return jnp.concatenate([x, x[item_to_left_idxs], x[item_to_right_idxs]], axis=-1) @ W + b
    lin2 = celu(pconv(pv, pc_W1, pc_b1))
    y2 = celu(pconv(lin2, pc_W2, pc_b2))
    y2 = y2 * jnp.tanh(pconv(y2, pc_W3, pc_b3))
    pv_out = _ln(pv + y2, ln_pb_g, ln_pb_b)
    # segment_csr(..., reduce='mean') via segment_sum over ids derived from counts
    seg_ids = jnp.repeat(jnp.arange(N, dtype=jnp.int32), counts, axis=0, total_repeat_length=TP)
    seg_sum = jax.ops.segment_sum(pv_out, seg_ids, num_segments=N)
    reduced = seg_sum / jnp.maximum(counts, 1).astype(jnp.float32)[:, None]
    base = celu(reduced @ W_p2o + b_p2o)
    base = jnp.where((counts == 0)[:, None], empty[None, :], base)
    ov = _ln(ov + base, ln_out_g, ln_out_b)
    return ov, pv_out

if __name__ == "__main__":
    import jax
    _d = setup_inputs()
    print(jax.jit(kernel)(*tuple(_d.values())))

</pallas_src>

<mosaic_0001>
#map = affine_map<(d0, d1) -> (0, 0)>
#map1 = affine_map<(d0, d1) -> (0)>
module attributes {stable_mosaic.version = 14 : i64} {
  func.func @_sc_gather_body(%arg0: i32, %arg1: i32, %arg2: memref<800000x64xbf16, #tpu.memory_space<hbm>>, %arg3: memref<800000xi32, #tpu.memory_space<hbm>>, %arg4: memref<800000xi32, #tpu.memory_space<hbm>>, %arg5: memref<1600000x64xbf16, #tpu.memory_space<hbm>>, %arg6: memref<1000xi32, #tpu.memory_space<vmem>>, %arg7: memref<1000xi32, #tpu.memory_space<vmem>>, %arg8: memref<1000x64xbf16, #tpu.memory_space<vmem>>, %arg9: memref<1000x64xbf16, #tpu.memory_space<vmem>>, %arg10: memref<!tpu.dma_semaphore, #tpu.memory_space<semaphore_mem>>, %arg11: memref<!tpu.dma_semaphore, #tpu.memory_space<semaphore_mem>>, %arg12: memref<!tpu.dma_semaphore, #tpu.memory_space<semaphore_mem>>, %arg13: memref<!tpu.dma_semaphore, #tpu.memory_space<semaphore_mem>>) attributes {dimension_semantics = [#tpu.dimension_semantics<core_parallel>, #tpu.dimension_semantics<subcore_parallel>], iteration_bounds = array<i64: 2, 16>, scalar_prefetch = 0 : i64, scratch_operands = 8 : i64, tpu.core_type = #tpu.core_type<sc_vector_subcore>, window_params = [{transform_indices = #map}, {transform_indices = #map1}, {transform_indices = #map1}, {transform_indices = #map}]} {
    %mul3A = arith.constant 2 : i32
    %mul3A_0 = arith.muli %arg1, %mul3A : i32
    %add3A = arith.addi %mul3A_0, %arg0 : i32
    %mul3A_1 = arith.constant 25000 : i32
    %mul3A_2 = arith.muli %add3A, %mul3A_1 : i32
    %add3A_3 = arith.constant 0 : i32
    %add3A_4 = arith.addi %mul3A_2, %add3A_3 : i32
    "tpu.region"() ({
      %run_scoped3A = tpu.sem_alloc : memref<!tpu.dma_semaphore, #tpu.memory_space<semaphore_mem>>
      %dma_start3A_66 = tpu.memref_slice %arg3[%add3A_4] : memref<800000xi32, #tpu.memory_space<hbm>> -> memref<1000xi32, #tpu.memory_space<hbm>>
      %dma_start3A_67 = tpu.memref_slice %arg3[%add3A_4] : memref<800000xi32, #tpu.memory_space<hbm>> -> memref<1000xi32, #tpu.memory_space<hbm>>
      tpu.enqueue_dma source(%dma_start3A_67 : memref<1000xi32, #tpu.memory_space<hbm>>) target(%arg6 : memref<1000xi32, #tpu.memory_space<vmem>>) target_semaphore(%run_scoped3A : memref<!tpu.dma_semaphore, #tpu.memory_space<semaphore_mem>>)
      %dma_wait3A_68 = tpu.memref_slice %arg3[%add3A_4] : memref<800000xi32, #tpu.memory_space<hbm>> -> memref<1000xi32, #tpu.memory_space<hbm>>
      %dma_wait3A_69 = tpu.memref_slice %arg3[%add3A_4] : memref<800000xi32, #tpu.memory_space<hbm>> -> memref<1000xi32, #tpu.memory_space<hbm>>
      tpu.wait_dma2 semaphore(%run_scoped3A : memref<!tpu.dma_semaphore, #tpu.memory_space<semaphore_mem>>) src(%dma_wait3A_69 : memref<1000xi32, #tpu.memory_space<hbm>>) dst(%arg6 : memref<1000xi32, #tpu.memory_space<vmem>>)
      tpu.yield
    }) : () -> ()
    %dma_start3A = arith.constant 0 : i32
    %dma_start3A_5 = arith.constant 0 : i32
    %dma_start3A_6 = tpu.memref_slice %arg2[%dma_start3A, %dma_start3A_5] : memref<800000x64xbf16, #tpu.memory_space<hbm>> -> memref<800000x64xbf16, #tpu.memory_space<hbm>>
    tpu.enqueue_indirect_dma source(%dma_start3A_6 : memref<800000x64xbf16, #tpu.memory_space<hbm>>) target(%arg8 : memref<1000x64xbf16, #tpu.memory_space<vmem>>) offsets(%arg6 : memref<1000xi32, #tpu.memory_space<vmem>>) semaphore(%arg10 : memref<!tpu.dma_semaphore, #tpu.memory_space<semaphore_mem>>)
    %scan3A = arith.constant 0 : i32
    %scan3A_7 = arith.constant 1 : i32
    %scan3A_8 = arith.constant 24 : i32
    %scan3A_9 = arith.addi %scan3A_7, %scan3A_8 : i32
    %scan3A_10 = arith.constant 1 : i32
    scf.for %scan3A_66 = %scan3A_7 to %scan3A_9 step %scan3A_10  : i32 {
      %jit3A = arith.constant 2 : i32
      %eq3A = arith.constant 0 : i32
      %eq3A_67 = arith.cmpi eq, %jit3A, %eq3A : i32
      %jit3A_68 = arith.constant 1 : i32
      %select_n3A = arith.select %eq3A_67, %jit3A_68, %jit3A : i32
      %rem3A = arith.remsi %scan3A_66, %select_n3A : i32
      %ne3A = arith.constant 0 : i32
      %ne3A_69 = arith.cmpi ne, %rem3A, %ne3A : i32
      %lt3A = arith.constant 0 : i32
      %lt3A_70 = arith.cmpi slt, %rem3A, %lt3A : i32
      %lt3A_71 = arith.constant 0 : i32
      %lt3A_72 = arith.cmpi slt, %select_n3A, %lt3A_71 : i32
      %ne3A_73 = arith.xori %lt3A_70, %lt3A_72 : i1
      %and3A = arith.andi %ne3A_73, %ne3A_69 : i1
      %add3A_74 = arith.addi %rem3A, %select_n3A : i32
      %select_n3A_75 = arith.select %and3A, %add3A_74, %rem3A : i32
      %eq3A_76 = arith.constant 0 : i32
      %eq3A_77 = arith.cmpi eq, %select_n3A_75, %eq3A_76 : i32
      %convert_element_type3A = arith.extui %eq3A_77 : i1 to i32
      %cond3A = arith.constant 0 : i32
      %cond3A_78 = arith.cmpi ne, %convert_element_type3A, %cond3A : i32
      scf.if %cond3A_78 {
        %ge3A = arith.constant 2 : i32
        %ge3A_84 = arith.cmpi sge, %scan3A_66, %ge3A : i32
        %convert_element_type3A_85 = arith.extui %ge3A_84 : i1 to i32
        %cond3A_86 = arith.constant 0 : i32
        %cond3A_87 = arith.cmpi ne, %convert_element_type3A_85, %cond3A_86 : i32
        scf.if %cond3A_87 {
          %sub3A_105 = arith.constant 2 : i32
          %sub3A_106 = arith.subi %scan3A_66, %sub3A_105 : i32
          %mul3A_107 = arith.constant 1000 : i32
          %mul3A_108 = arith.muli %sub3A_106, %mul3A_107 : i32
          %add3A_109 = arith.addi %mul3A_2, %mul3A_108 : i32
          %dma_wait3A_110 = arith.constant 0 : i32
          %dma_wait3A_111 = tpu.memref_slice %arg5[%add3A_109, %dma_wait3A_110] : memref<1600000x64xbf16, #tpu.memory_space<hbm>> -> memref<1000x64xbf16, #tpu.memory_space<hbm>>
          %dma_wait3A_112 = arith.constant 0 : i32
          %dma_wait3A_113 = tpu.memref_slice %arg5[%add3A_109, %dma_wait3A_112] : memref<1600000x64xbf16, #tpu.memory_space<hbm>> -> memref<1000x64xbf16, #tpu.memory_space<hbm>>
          tpu.wait_dma2 semaphore(%arg12 : memref<!tpu.dma_semaphore, #tpu.memory_space<semaphore_mem>>) src(%arg8 : memref<1000x64xbf16, #tpu.memory_space<vmem>>) dst(%dma_wait3A_113 : memref<1000x64xbf16, #tpu.memory_space<hbm>>)
        } else {
        }
        %mul3A_88 = arith.constant 1000 : i32
        %mul3A_89 = arith.muli %scan3A_66, %mul3A_88 : i32
        %add3A_90 = arith.addi %mul3A_2, %mul3A_89 : i32
        "tpu.region"() ({
          %run_scoped3A = tpu.sem_alloc : memref<!tpu.dma_semaphore, #tpu.memory_space<semaphore_mem>>
          %dma_start3A_105 = tpu.memref_slice %arg3[%add3A_90] : memref<800000xi32, #tpu.memory_space<hbm>> -> memref<1000xi32, #tpu.memory_space<hbm>>
          %dma_start3A_106 = tpu.memref_slice %arg3[%add3A_90] : memref<800000xi32, #tpu.memory_space<hbm>> -> memref<1000xi32, #tpu.memory_space<hbm>>
          tpu.enqueue_dma source(%dma_start3A_106 : memref<1000xi32, #tpu.memory_space<hbm>>) target(%arg6 : memref<1000xi32, #tpu.memory_space<vmem>>) target_semaphore(%run_scoped3A : memref<!tpu.dma_semaphore, #tpu.memory_space<semaphore_mem>>)
          %dma_wait3A_107 = tpu.memref_slice %arg3[%add3A_90] : memref<800000xi32, #tpu.memory_space<hbm>> -> memref<1000xi32, #tpu.memory_space<hbm>>
          %dma_wait3A_108 = tpu.memref_slice %arg3[%add3A_90] : memref<800000xi32, #tpu.memory_space<hbm>> -> memref<1000xi32, #tpu.memory_space<hbm>>
          tpu.wait_dma2 semaphore(%run_scoped3A : memref<!tpu.dma_semaphore, #tpu.memory_space<semaphore_mem>>) src(%dma_wait3A_108 : memref<1000xi32, #tpu.memory_space<hbm>>) dst(%arg6 : memref<1000xi32, #tpu.memory_space<vmem>>)
          tpu.yield
        }) : () -> ()
        %dma_start3A_91 = arith.constant 0 : i32
        %dma_start3A_92 = arith.constant 0 : i32
        %dma_start3A_93 = tpu.memref_slice %arg2[%dma_start3A_91, %dma_start3A_92] : memref<800000x64xbf16, #tpu.memory_space<hbm>> -> memref<800000x64xbf16, #tpu.memory_space<hbm>>
        tpu.enqueue_indirect_dma source(%dma_start3A_93 : memref<800000x64xbf16, #tpu.memory_space<hbm>>) target(%arg8 : memref<1000x64xbf16, #tpu.memory_space<vmem>>) offsets(%arg6 : memref<1000xi32, #tpu.memory_space<vmem>>) semaphore(%arg10 : memref<!tpu.dma_semaphore, #tpu.memory_space<semaphore_mem>>)
        %sub3A = arith.constant 1 : i32
        %sub3A_94 = arith.subi %scan3A_66, %sub3A : i32
        %dma_wait3A_95 = arith.constant 0 : i32
        %dma_wait3A_96 = arith.constant 0 : i32
        %dma_wait3A_97 = tpu.memref_slice %arg2[%dma_wait3A_95, %dma_wait3A_96] : memref<800000x64xbf16, #tpu.memory_space<hbm>> -> memref<800000x64xbf16, #tpu.memory_space<hbm>>
        tpu.wait_indirect_dma semaphore(%arg11 : memref<!tpu.dma_semaphore, #tpu.memory_space<semaphore_mem>>) src(%dma_wait3A_97 : memref<800000x64xbf16, #tpu.memory_space<hbm>>) dst(%arg9 : memref<1000x64xbf16, #tpu.memory_space<vmem>>)
        %mul3A_98 = arith.constant 1000 : i32
        %mul3A_99 = arith.muli %sub3A_94, %mul3A_98 : i32
        %add3A_100 = arith.addi %mul3A_2, %mul3A_99 : i32
        %dma_start3A_101 = arith.constant 0 : i32
        %dma_start3A_102 = tpu.memref_slice %arg5[%add3A_100, %dma_start3A_101] : memref<1600000x64xbf16, #tpu.memory_space<hbm>> -> memref<1000x64xbf16, #tpu.memory_space<hbm>>
        %dma_start3A_103 = arith.constant 0 : i32
        %dma_start3A_104 = tpu.memref_slice %arg5[%add3A_100, %dma_start3A_103] : memref<1600000x64xbf16, #tpu.memory_space<hbm>> -> memref<1000x64xbf16, #tpu.memory_space<hbm>>
        tpu.enqueue_dma source(%arg9 : memref<1000x64xbf16, #tpu.memory_space<vmem>>) target(%dma_start3A_104 : memref<1000x64xbf16, #tpu.memory_space<hbm>>) target_semaphore(%arg13 : memref<!tpu.dma_semaphore, #tpu.memory_space<semaphore_mem>>)
      } else {
      }
      %eq3A_79 = arith.constant 1 : i32
      %eq3A_80 = arith.cmpi eq, %select_n3A_75, %eq3A_79 : i32
      %convert_element_type3A_81 = arith.extui %eq3A_80 : i1 to i32
      %cond3A_82 = arith.constant 0 : i32
      %cond3A_83 = arith.cmpi ne, %convert_element_type3A_81, %cond3A_82 : i32
      scf.if %cond3A_83 {
        %ge3A = arith.constant 2 : i32
        %ge3A_84 = arith.cmpi sge, %scan3A_66, %ge3A : i32
        %convert_element_type3A_85 = arith.extui %ge3A_84 : i1 to i32
        %cond3A_86 = arith.constant 0 : i32
        %cond3A_87 = arith.cmpi ne, %convert_element_type3A_85, %cond3A_86 : i32
        scf.if %cond3A_87 {
          %sub3A_105 = arith.constant 2 : i32
          %sub3A_106 = arith.subi %scan3A_66, %sub3A_105 : i32
          %mul3A_107 = arith.constant 1000 : i32
          %mul3A_108 = arith.muli %sub3A_106, %mul3A_107 : i32
          %add3A_109 = arith.addi %mul3A_2, %mul3A_108 : i32
          %dma_wait3A_110 = arith.constant 0 : i32
          %dma_wait3A_111 = tpu.memref_slice %arg5[%add3A_109, %dma_wait3A_110] : memref<1600000x64xbf16, #tpu.memory_space<hbm>> -> memref<1000x64xbf16, #tpu.memory_space<hbm>>
          %dma_wait3A_112 = arith.constant 0 : i32
          %dma_wait3A_113 = tpu.memref_slice %arg5[%add3A_109, %dma_wait3A_112] : memref<1600000x64xbf16, #tpu.memory_space<hbm>> -> memref<1000x64xbf16, #tpu.memory_space<hbm>>
          tpu.wait_dma2 semaphore(%arg13 : memref<!tpu.dma_semaphore, #tpu.memory_space<semaphore_mem>>) src(%arg9 : memref<1000x64xbf16, #tpu.memory_space<vmem>>) dst(%dma_wait3A_113 : memref<1000x64xbf16, #tpu.memory_space<hbm>>)
        } else {
        }
        %mul3A_88 = arith.constant 1000 : i32
        %mul3A_89 = arith.muli %scan3A_66, %mul3A_88 : i32
        %add3A_90 = arith.addi %mul3A_2, %mul3A_89 : i32
        "tpu.region"() ({
          %run_scoped3A = tpu.sem_alloc : memref<!tpu.dma_semaphore, #tpu.memory_space<semaphore_mem>>
          %dma_start3A_105 = tpu.memref_slice %arg3[%add3A_90] : memref<800000xi32, #tpu.memory_space<hbm>> -> memref<1000xi32, #tpu.memory_space<hbm>>
          %dma_start3A_106 = tpu.memref_slice %arg3[%add3A_90] : memref<800000xi32, #tpu.memory_space<hbm>> -> memref<1000xi32, #tpu.memory_space<hbm>>
          tpu.enqueue_dma source(%dma_start3A_106 : memref<1000xi32, #tpu.memory_space<hbm>>) target(%arg7 : memref<1000xi32, #tpu.memory_space<vmem>>) target_semaphore(%run_scoped3A : memref<!tpu.dma_semaphore, #tpu.memory_space<semaphore_mem>>)
          %dma_wait3A_107 = tpu.memref_slice %arg3[%add3A_90] : memref<800000xi32, #tpu.memory_space<hbm>> -> memref<1000xi32, #tpu.memory_space<hbm>>
          %dma_wait3A_108 = tpu.memref_slice %arg3[%add3A_90] : memref<800000xi32, #tpu.memory_space<hbm>> -> memref<1000xi32, #tpu.memory_space<hbm>>
          tpu.wait_dma2 semaphore(%run_scoped3A : memref<!tpu.dma_semaphore, #tpu.memory_space<semaphore_mem>>) src(%dma_wait3A_108 : memref<1000xi32, #tpu.memory_space<hbm>>) dst(%arg7 : memref<1000xi32, #tpu.memory_space<vmem>>)
          tpu.yield
        }) : () -> ()
        %dma_start3A_91 = arith.constant 0 : i32
        %dma_start3A_92 = arith.constant 0 : i32
        %dma_start3A_93 = tpu.memref_slice %arg2[%dma_start3A_91, %dma_start3A_92] : memref<800000x64xbf16, #tpu.memory_space<hbm>> -> memref<800000x64xbf16, #tpu.memory_space<hbm>>
        tpu.enqueue_indirect_dma source(%dma_start3A_93 : memref<800000x64xbf16, #tpu.memory_space<hbm>>) target(%arg9 : memref<1000x64xbf16, #tpu.memory_space<vmem>>) offsets(%arg7 : memref<1000xi32, #tpu.memory_space<vmem>>) semaphore(%arg11 : memref<!tpu.dma_semaphore, #tpu.memory_space<semaphore_mem>>)
        %sub3A = arith.constant 1 : i32
        %sub3A_94 = arith.subi %scan3A_66, %sub3A : i32
        %dma_wait3A_95 = arith.constant 0 : i32
        %dma_wait3A_96 = arith.constant 0 : i32
        %dma_wait3A_97 = tpu.memref_slice %arg2[%dma_wait3A_95, %dma_wait3A_96] : memref<800000x64xbf16, #tpu.memory_space<hbm>> -> memref<800000x64xbf16, #tpu.memory_space<hbm>>
        tpu.wait_indirect_dma semaphore(%arg10 : memref<!tpu.dma_semaphore, #tpu.memory_space<semaphore_mem>>) src(%dma_wait3A_97 : memref<800000x64xbf16, #tpu.memory_space<hbm>>) dst(%arg8 : memref<1000x64xbf16, #tpu.memory_space<vmem>>)
        %mul3A_98 = arith.constant 1000 : i32
        %mul3A_99 = arith.muli %sub3A_94, %mul3A_98 : i32
        %add3A_100 = arith.addi %mul3A_2, %mul3A_99 : i32
        %dma_start3A_101 = arith.constant 0 : i32
        %dma_start3A_102 = tpu.memref_slice %arg5[%add3A_100, %dma_start3A_101] : memref<1600000x64xbf16, #tpu.memory_space<hbm>> -> memref<1000x64xbf16, #tpu.memory_space<hbm>>
        %dma_start3A_103 = arith.constant 0 : i32
        %dma_start3A_104 = tpu.memref_slice %arg5[%add3A_100, %dma_start3A_103] : memref<1600000x64xbf16, #tpu.memory_space<hbm>> -> memref<1000x64xbf16, #tpu.memory_space<hbm>>
        tpu.enqueue_dma source(%arg8 : memref<1000x64xbf16, #tpu.memory_space<vmem>>) target(%dma_start3A_104 : memref<1000x64xbf16, #tpu.memory_space<hbm>>) target_semaphore(%arg12 : memref<!tpu.dma_semaphore, #tpu.memory_space<semaphore_mem>>)
      } else {
      }
    }
    %scan3A_11 = arith.constant 24 : i32
    %dma_wait3A = arith.constant 0 : i32
    %dma_wait3A_12 = arith.constant 0 : i32
    %dma_wait3A_13 = tpu.memref_slice %arg2[%dma_wait3A, %dma_wait3A_12] : memref<800000x64xbf16, #tpu.memory_space<hbm>> -> memref<800000x64xbf16, #tpu.memory_space<hbm>>
    tpu.wait_indirect_dma semaphore(%arg10 : memref<!tpu.dma_semaphore, #tpu.memory_space<semaphore_mem>>) src(%dma_wait3A_13 : memref<800000x64xbf16, #tpu.memory_space<hbm>>) dst(%arg8 : memref<1000x64xbf16, #tpu.memory_space<vmem>>)
    %add3A_14 = arith.constant 24000 : i32
    %add3A_15 = arith.addi %mul3A_2, %add3A_14 : i32
    %dma_start3A_16 = arith.constant 0 : i32
    %dma_start3A_17 = tpu.memref_slice %arg5[%add3A_15, %dma_start3A_16] : memref<1600000x64xbf16, #tpu.memory_space<hbm>> -> memref<1000x64xbf16, #tpu.memory_space<hbm>>
    %dma_start3A_18 = arith.constant 0 : i32
    %dma_start3A_19 = tpu.memref_slice %arg5[%add3A_15, %dma_start3A_18] : memref<1600000x64xbf16, #tpu.memory_space<hbm>> -> memref<1000x64xbf16, #tpu.memory_space<hbm>>
    tpu.enqueue_dma source(%arg8 : memref<1000x64xbf16, #tpu.memory_space<vmem>>) target(%dma_start3A_19 : memref<1000x64xbf16, #tpu.memory_space<hbm>>) target_semaphore(%arg12 : memref<!tpu.dma_semaphore, #tpu.memory_space<semaphore_mem>>)
    %add3A_20 = arith.constant 23000 : i32
    %add3A_21 = arith.addi %mul3A_2, %add3A_20 : i32
    %dma_wait3A_22 = arith.constant 0 : i32
    %dma_wait3A_23 = tpu.memref_slice %arg5[%add3A_21, %dma_wait3A_22] : memref<1600000x64xbf16, #tpu.memory_space<hbm>> -> memref<1000x64xbf16, #tpu.memory_space<hbm>>
    %dma_wait3A_24 = arith.constant 0 : i32
    %dma_wait3A_25 = tpu.memref_slice %arg5[%add3A_21, %dma_wait3A_24] : memref<1600000x64xbf16, #tpu.memory_space<hbm>> -> memref<1000x64xbf16, #tpu.memory_space<hbm>>
    tpu.wait_dma2 semaphore(%arg13 : memref<!tpu.dma_semaphore, #tpu.memory_space<semaphore_mem>>) src(%arg9 : memref<1000x64xbf16, #tpu.memory_space<vmem>>) dst(%dma_wait3A_25 : memref<1000x64xbf16, #tpu.memory_space<hbm>>)
    %add3A_26 = arith.constant 24000 : i32
    %add3A_27 = arith.addi %mul3A_2, %add3A_26 : i32
    %dma_wait3A_28 = arith.constant 0 : i32
    %dma_wait3A_29 = tpu.memref_slice %arg5[%add3A_27, %dma_wait3A_28] : memref<1600000x64xbf16, #tpu.memory_space<hbm>> -> memref<1000x64xbf16, #tpu.memory_space<hbm>>
    %dma_wait3A_30 = arith.constant 0 : i32
    %dma_wait3A_31 = tpu.memref_slice %arg5[%add3A_27, %dma_wait3A_30] : memref<1600000x64xbf16, #tpu.memory_space<hbm>> -> memref<1000x64xbf16, #tpu.memory_space<hbm>>
    tpu.wait_dma2 semaphore(%arg12 : memref<!tpu.dma_semaphore, #tpu.memory_space<semaphore_mem>>) src(%arg8 : memref<1000x64xbf16, #tpu.memory_space<vmem>>) dst(%dma_wait3A_31 : memref<1000x64xbf16, #tpu.memory_space<hbm>>)
    %add3A_32 = arith.constant 800000 : i32
    %add3A_33 = arith.addi %add3A_32, %mul3A_2 : i32
    %add3A_34 = arith.constant 0 : i32
    %add3A_35 = arith.addi %mul3A_2, %add3A_34 : i32
    "tpu.region"() ({
      %run_scoped3A = tpu.sem_alloc : memref<!tpu.dma_semaphore, #tpu.memory_space<semaphore_mem>>
      %dma_start3A_66 = tpu.memref_slice %arg4[%add3A_35] : memref<800000xi32, #tpu.memory_space<hbm>> -> memref<1000xi32, #tpu.memory_space<hbm>>
      %dma_start3A_67 = tpu.memref_slice %arg4[%add3A_35] : memref<800000xi32, #tpu.memory_space<hbm>> -> memref<1000xi32, #tpu.memory_space<hbm>>
      tpu.enqueue_dma source(%dma_start3A_67 : memref<1000xi32, #tpu.memory_space<hbm>>) target(%arg6 : memref<1000xi32, #tpu.memory_space<vmem>>) target_semaphore(%run_scoped3A : memref<!tpu.dma_semaphore, #tpu.memory_space<semaphore_mem>>)
      %dma_wait3A_68 = tpu.memref_slice %arg4[%add3A_35] : memref<800000xi32, #tpu.memory_space<hbm>> -> memref<1000xi32, #tpu.memory_space<hbm>>
      %dma_wait3A_69 = tpu.memref_slice %arg4[%add3A_35] : memref<800000xi32, #tpu.memory_space<hbm>> -> memref<1000xi32, #tpu.memory_space<hbm>>
      tpu.wait_dma2 semaphore(%run_scoped3A : memref<!tpu.dma_semaphore, #tpu.memory_space<semaphore_mem>>) src(%dma_wait3A_69 : memref<1000xi32, #tpu.memory_space<hbm>>) dst(%arg6 : memref<1000xi32, #tpu.memory_space<vmem>>)
      tpu.yield
    }) : () -> ()
    %dma_start3A_36 = arith.constant 0 : i32
    %dma_start3A_37 = arith.constant 0 : i32
    %dma_start3A_38 = tpu.memref_slice %arg2[%dma_start3A_36, %dma_start3A_37] : memref<800000x64xbf16, #tpu.memory_space<hbm>> -> memref<800000x64xbf16, #tpu.memory_space<hbm>>
    tpu.enqueue_indirect_dma source(%dma_start3A_38 : memref<800000x64xbf16, #tpu.memory_space<hbm>>) target(%arg8 : memref<1000x64xbf16, #tpu.memory_space<vmem>>) offsets(%arg6 : memref<1000xi32, #tpu.memory_space<vmem>>) semaphore(%arg10 : memref<!tpu.dma_semaphore, #tpu.memory_space<semaphore_mem>>)
    %scan3A_39 = arith.constant 0 : i32
    %scan3A_40 = arith.constant 1 : i32
    %scan3A_41 = arith.constant 24 : i32
    %scan3A_42 = arith.addi %scan3A_40, %scan3A_41 : i32
    %scan3A_43 = arith.constant 1 : i32
    scf.for %scan3A_66 = %scan3A_40 to %scan3A_42 step %scan3A_43  : i32 {
      %jit3A = arith.constant 2 : i32
      %eq3A = arith.constant 0 : i32
      %eq3A_67 = arith.cmpi eq, %jit3A, %eq3A : i32
      %jit3A_68 = arith.constant 1 : i32
      %select_n3A = arith.select %eq3A_67, %jit3A_68, %jit3A : i32
      %rem3A = arith.remsi %scan3A_66, %select_n3A : i32
      %ne3A = arith.constant 0 : i32
      %ne3A_69 = arith.cmpi ne, %rem3A, %ne3A : i32
      %lt3A = arith.constant 0 : i32
      %lt3A_70 = arith.cmpi slt, %rem3A, %lt3A : i32
      %lt3A_71 = arith.constant 0 : i32
      %lt3A_72 = arith.cmpi slt, %select_n3A, %lt3A_71 : i32
      %ne3A_73 = arith.xori %lt3A_70, %lt3A_72 : i1
      %and3A = arith.andi %ne3A_73, %ne3A_69 : i1
      %add3A_74 = arith.addi %rem3A, %select_n3A : i32
      %select_n3A_75 = arith.select %and3A, %add3A_74, %rem3A : i32
      %eq3A_76 = arith.constant 0 : i32
      %eq3A_77 = arith.cmpi eq, %select_n3A_75, %eq3A_76 : i32
      %convert_element_type3A = arith.extui %eq3A_77 : i1 to i32
      %cond3A = arith.constant 0 : i32
      %cond3A_78 = arith.cmpi ne, %convert_element_type3A, %cond3A : i32
      scf.if %cond3A_78 {
        %ge3A = arith.constant 2 : i32
        %ge3A_84 = arith.cmpi sge, %scan3A_66, %ge3A : i32
        %convert_element_type3A_85 = arith.extui %ge3A_84 : i1 to i32
        %cond3A_86 = arith.constant 0 : i32
        %cond3A_87 = arith.cmpi ne, %convert_element_type3A_85, %cond3A_86 : i32
        scf.if %cond3A_87 {
          %sub3A_105 = arith.constant 2 : i32
          %sub3A_106 = arith.subi %scan3A_66, %sub3A_105 : i32
          %mul3A_107 = arith.constant 1000 : i32
          %mul3A_108 = arith.muli %sub3A_106, %mul3A_107 : i32
          %add3A_109 = arith.addi %add3A_33, %mul3A_108 : i32
          %dma_wait3A_110 = arith.constant 0 : i32
          %dma_wait3A_111 = tpu.memref_slice %arg5[%add3A_109, %dma_wait3A_110] : memref<1600000x64xbf16, #tpu.memory_space<hbm>> -> memref<1000x64xbf16, #tpu.memory_space<hbm>>
          %dma_wait3A_112 = arith.constant 0 : i32
          %dma_wait3A_113 = tpu.memref_slice %arg5[%add3A_109, %dma_wait3A_112] : memref<1600000x64xbf16, #tpu.memory_space<hbm>> -> memref<1000x64xbf16, #tpu.memory_space<hbm>>
          tpu.wait_dma2 semaphore(%arg12 : memref<!tpu.dma_semaphore, #tpu.memory_space<semaphore_mem>>) src(%arg8 : memref<1000x64xbf16, #tpu.memory_space<vmem>>) dst(%dma_wait3A_113 : memref<1000x64xbf16, #tpu.memory_space<hbm>>)
        } else {
        }
        %mul3A_88 = arith.constant 1000 : i32
        %mul3A_89 = arith.muli %scan3A_66, %mul3A_88 : i32
        %add3A_90 = arith.addi %mul3A_2, %mul3A_89 : i32
        "tpu.region"() ({
          %run_scoped3A = tpu.sem_alloc : memref<!tpu.dma_semaphore, #tpu.memory_space<semaphore_mem>>
          %dma_start3A_105 = tpu.memref_slice %arg4[%add3A_90] : memref<800000xi32, #tpu.memory_space<hbm>> -> memref<1000xi32, #tpu.memory_space<hbm>>
          %dma_start3A_106 = tpu.memref_slice %arg4[%add3A_90] : memref<800000xi32, #tpu.memory_space<hbm>> -> memref<1000xi32, #tpu.memory_space<hbm>>
          tpu.enqueue_dma source(%dma_start3A_106 : memref<1000xi32, #tpu.memory_space<hbm>>) target(%arg6 : memref<1000xi32, #tpu.memory_space<vmem>>) target_semaphore(%run_scoped3A : memref<!tpu.dma_semaphore, #tpu.memory_space<semaphore_mem>>)
          %dma_wait3A_107 = tpu.memref_slice %arg4[%add3A_90] : memref<800000xi32, #tpu.memory_space<hbm>> -> memref<1000xi32, #tpu.memory_space<hbm>>
          %dma_wait3A_108 = tpu.memref_slice %arg4[%add3A_90] : memref<800000xi32, #tpu.memory_space<hbm>> -> memref<1000xi32, #tpu.memory_space<hbm>>
          tpu.wait_dma2 semaphore(%run_scoped3A : memref<!tpu.dma_semaphore, #tpu.memory_space<semaphore_mem>>) src(%dma_wait3A_108 : memref<1000xi32, #tpu.memory_space<hbm>>) dst(%arg6 : memref<1000xi32, #tpu.memory_space<vmem>>)
          tpu.yield
        }) : () -> ()
        %dma_start3A_91 = arith.constant 0 : i32
        %dma_start3A_92 = arith.constant 0 : i32
        %dma_start3A_93 = tpu.memref_slice %arg2[%dma_start3A_91, %dma_start3A_92] : memref<800000x64xbf16, #tpu.memory_space<hbm>> -> memref<800000x64xbf16, #tpu.memory_space<hbm>>
        tpu.enqueue_indirect_dma source(%dma_start3A_93 : memref<800000x64xbf16, #tpu.memory_space<hbm>>) target(%arg8 : memref<1000x64xbf16, #tpu.memory_space<vmem>>) offsets(%arg6 : memref<1000xi32, #tpu.memory_space<vmem>>) semaphore(%arg10 : memref<!tpu.dma_semaphore, #tpu.memory_space<semaphore_mem>>)
        %sub3A = arith.constant 1 : i32
        %sub3A_94 = arith.subi %scan3A_66, %sub3A : i32
        %dma_wait3A_95 = arith.constant 0 : i32
        %dma_wait3A_96 = arith.constant 0 : i32
        %dma_wait3A_97 = tpu.memref_slice %arg2[%dma_wait3A_95, %dma_wait3A_96] : memref<800000x64xbf16, #tpu.memory_space<hbm>> -> memref<800000x64xbf16, #tpu.memory_space<hbm>>
        tpu.wait_indirect_dma semaphore(%arg11 : memref<!tpu.dma_semaphore, #tpu.memory_space<semaphore_mem>>) src(%dma_wait3A_97 : memref<800000x64xbf16, #tpu.memory_space<hbm>>) dst(%arg9 : memref<1000x64xbf16, #tpu.memory_space<vmem>>)
        %mul3A_98 = arith.constant 1000 : i32
        %mul3A_99 = arith.muli %sub3A_94, %mul3A_98 : i32
        %add3A_100 = arith.addi %add3A_33, %mul3A_99 : i32
        %dma_start3A_101 = arith.constant 0 : i32
        %dma_start3A_102 = tpu.memref_slice %arg5[%add3A_100, %dma_start3A_101] : memref<1600000x64xbf16, #tpu.memory_space<hbm>> -> memref<1000x64xbf16, #tpu.memory_space<hbm>>
        %dma_start3A_103 = arith.constant 0 : i32
        %dma_start3A_104 = tpu.memref_slice %arg5[%add3A_100, %dma_start3A_103] : memref<1600000x64xbf16, #tpu.memory_space<hbm>> -> memref<1000x64xbf16, #tpu.memory_space<hbm>>
        tpu.enqueue_dma source(%arg9 : memref<1000x64xbf16, #tpu.memory_space<vmem>>) target(%dma_start3A_104 : memref<1000x64xbf16, #tpu.memory_space<hbm>>) target_semaphore(%arg13 : memref<!tpu.dma_semaphore, #tpu.memory_space<semaphore_mem>>)
      } else {
      }
      %eq3A_79 = arith.constant 1 : i32
      %eq3A_80 = arith.cmpi eq, %select_n3A_75, %eq3A_79 : i32
      %convert_element_type3A_81 = arith.extui %eq3A_80 : i1 to i32
      %cond3A_82 = arith.constant 0 : i32
      %cond3A_83 = arith.cmpi ne, %convert_element_type3A_81, %cond3A_82 : i32
      scf.if %cond3A_83 {
        %ge3A = arith.constant 2 : i32
        %ge3A_84 = arith.cmpi sge, %scan3A_66, %ge3A : i32
        %convert_element_type3A_85 = arith.extui %ge3A_84 : i1 to i32
        %cond3A_86 = arith.constant 0 : i32
        %cond3A_87 = arith.cmpi ne, %convert_element_type3A_85, %cond3A_86 : i32
        scf.if %cond3A_87 {
          %sub3A_105 = arith.constant 2 : i32
          %sub3A_106 = arith.subi %scan3A_66, %sub3A_105 : i32
          %mul3A_107 = arith.constant 1000 : i32
          %mul3A_108 = arith.muli %sub3A_106, %mul3A_107 : i32
          %add3A_109 = arith.addi %add3A_33, %mul3A_108 : i32
          %dma_wait3A_110 = arith.constant 0 : i32
          %dma_wait3A_111 = tpu.memref_slice %arg5[%add3A_109, %dma_wait3A_110] : memref<1600000x64xbf16, #tpu.memory_space<hbm>> -> memref<1000x64xbf16, #tpu.memory_space<hbm>>
          %dma_wait3A_112 = arith.constant 0 : i32
          %dma_wait3A_113 = tpu.memref_slice %arg5[%add3A_109, %dma_wait3A_112] : memref<1600000x64xbf16, #tpu.memory_space<hbm>> -> memref<1000x64xbf16, #tpu.memory_space<hbm>>
          tpu.wait_dma2 semaphore(%arg13 : memref<!tpu.dma_semaphore, #tpu.memory_space<semaphore_mem>>) src(%arg9 : memref<1000x64xbf16, #tpu.memory_space<vmem>>) dst(%dma_wait3A_113 : memref<1000x64xbf16, #tpu.memory_space<hbm>>)
        } else {
        }
        %mul3A_88 = arith.constant 1000 : i32
        %mul3A_89 = arith.muli %scan3A_66, %mul3A_88 : i32
        %add3A_90 = arith.addi %mul3A_2, %mul3A_89 : i32
        "tpu.region"() ({
          %run_scoped3A = tpu.sem_alloc : memref<!tpu.dma_semaphore, #tpu.memory_space<semaphore_mem>>
          %dma_start3A_105 = tpu.memref_slice %arg4[%add3A_90] : memref<800000xi32, #tpu.memory_space<hbm>> -> memref<1000xi32, #tpu.memory_space<hbm>>
          %dma_start3A_106 = tpu.memref_slice %arg4[%add3A_90] : memref<800000xi32, #tpu.memory_space<hbm>> -> memref<1000xi32, #tpu.memory_space<hbm>>
          tpu.enqueue_dma source(%dma_start3A_106 : memref<1000xi32, #tpu.memory_space<hbm>>) target(%arg7 : memref<1000xi32, #tpu.memory_space<vmem>>) target_semaphore(%run_scoped3A : memref<!tpu.dma_semaphore, #tpu.memory_space<semaphore_mem>>)
          %dma_wait3A_107 = tpu.memref_slice %arg4[%add3A_90] : memref<800000xi32, #tpu.memory_space<hbm>> -> memref<1000xi32, #tpu.memory_space<hbm>>
          %dma_wait3A_108 = tpu.memref_slice %arg4[%add3A_90] : memref<800000xi32, #tpu.memory_space<hbm>> -> memref<1000xi32, #tpu.memory_space<hbm>>
          tpu.wait_dma2 semaphore(%run_scoped3A : memref<!tpu.dma_semaphore, #tpu.memory_space<semaphore_mem>>) src(%dma_wait3A_108 : memref<1000xi32, #tpu.memory_space<hbm>>) dst(%arg7 : memref<1000xi32, #tpu.memory_space<vmem>>)
          tpu.yield
        }) : () -> ()
        %dma_start3A_91 = arith.constant 0 : i32
        %dma_start3A_92 = arith.constant 0 : i32
        %dma_start3A_93 = tpu.memref_slice %arg2[%dma_start3A_91, %dma_start3A_92] : memref<800000x64xbf16, #tpu.memory_space<hbm>> -> memref<800000x64xbf16, #tpu.memory_space<hbm>>
        tpu.enqueue_indirect_dma source(%dma_start3A_93 : memref<800000x64xbf16, #tpu.memory_space<hbm>>) target(%arg9 : memref<1000x64xbf16, #tpu.memory_space<vmem>>) offsets(%arg7 : memref<1000xi32, #tpu.memory_space<vmem>>) semaphore(%arg11 : memref<!tpu.dma_semaphore, #tpu.memory_space<semaphore_mem>>)
        %sub3A = arith.constant 1 : i32
        %sub3A_94 = arith.subi %scan3A_66, %sub3A : i32
        %dma_wait3A_95 = arith.constant 0 : i32
        %dma_wait3A_96 = arith.constant 0 : i32
        %dma_wait3A_97 = tpu.memref_slice %arg2[%dma_wait3A_95, %dma_wait3A_96] : memref<800000x64xbf16, #tpu.memory_space<hbm>> -> memref<800000x64xbf16, #tpu.memory_space<hbm>>
        tpu.wait_indirect_dma semaphore(%arg10 : memref<!tpu.dma_semaphore, #tpu.memory_space<semaphore_mem>>) src(%dma_wait3A_97 : memref<800000x64xbf16, #tpu.memory_space<hbm>>) dst(%arg8 : memref<1000x64xbf16, #tpu.memory_space<vmem>>)
        %mul3A_98 = arith.constant 1000 : i32
        %mul3A_99 = arith.muli %sub3A_94, %mul3A_98 : i32
        %add3A_100 = arith.addi %add3A_33, %mul3A_99 : i32
        %dma_start3A_101 = arith.constant 0 : i32
        %dma_start3A_102 = tpu.memref_slice %arg5[%add3A_100, %dma_start3A_101] : memref<1600000x64xbf16, #tpu.memory_space<hbm>> -> memref<1000x64xbf16, #tpu.memory_space<hbm>>
        %dma_start3A_103 = arith.constant 0 : i32
        %dma_start3A_104 = tpu.memref_slice %arg5[%add3A_100, %dma_start3A_103] : memref<1600000x64xbf16, #tpu.memory_space<hbm>> -> memref<1000x64xbf16, #tpu.memory_space<hbm>>
        tpu.enqueue_dma source(%arg8 : memref<1000x64xbf16, #tpu.memory_space<vmem>>) target(%dma_start3A_104 : memref<1000x64xbf16, #tpu.memory_space<hbm>>) target_semaphore(%arg12 : memref<!tpu.dma_semaphore, #tpu.memory_space<semaphore_mem>>)
      } else {
      }
    }
    %scan3A_44 = arith.constant 24 : i32
    %dma_wait3A_45 = arith.constant 0 : i32
    %dma_wait3A_46 = arith.constant 0 : i32
    %dma_wait3A_47 = tpu.memref_slice %arg2[%dma_wait3A_45, %dma_wait3A_46] : memref<800000x64xbf16, #tpu.memory_space<hbm>> -> memref<800000x64xbf16, #tpu.memory_space<hbm>>
    tpu.wait_indirect_dma semaphore(%arg10 : memref<!tpu.dma_semaphore, #tpu.memory_space<semaphore_mem>>) src(%dma_wait3A_47 : memref<800000x64xbf16, #tpu.memory_space<hbm>>) dst(%arg8 : memref<1000x64xbf16, #tpu.memory_space<vmem>>)
    %add3A_48 = arith.constant 24000 : i32
    %add3A_49 = arith.addi %add3A_33, %add3A_48 : i32
    %dma_start3A_50 = arith.constant 0 : i32
    %dma_start3A_51 = tpu.memref_slice %arg5[%add3A_49, %dma_start3A_50] : memref<1600000x64xbf16, #tpu.memory_space<hbm>> -> memref<1000x64xbf16, #tpu.memory_space<hbm>>
    %dma_start3A_52 = arith.constant 0 : i32
    %dma_start3A_53 = tpu.memref_slice %arg5[%add3A_49, %dma_start3A_52] : memref<1600000x64xbf16, #tpu.memory_space<hbm>> -> memref<1000x64xbf16, #tpu.memory_space<hbm>>
    tpu.enqueue_dma source(%arg8 : memref<1000x64xbf16, #tpu.memory_space<vmem>>) target(%dma_start3A_53 : memref<1000x64xbf16, #tpu.memory_space<hbm>>) target_semaphore(%arg12 : memref<!tpu.dma_semaphore, #tpu.memory_space<semaphore_mem>>)
    %add3A_54 = arith.constant 23000 : i32
    %add3A_55 = arith.addi %add3A_33, %add3A_54 : i32
    %dma_wait3A_56 = arith.constant 0 : i32
    %dma_wait3A_57 = tpu.memref_slice %arg5[%add3A_55, %dma_wait3A_56] : memref<1600000x64xbf16, #tpu.memory_space<hbm>> -> memref<1000x64xbf16, #tpu.memory_space<hbm>>
    %dma_wait3A_58 = arith.constant 0 : i32
    %dma_wait3A_59 = tpu.memref_slice %arg5[%add3A_55, %dma_wait3A_58] : memref<1600000x64xbf16, #tpu.memory_space<hbm>> -> memref<1000x64xbf16, #tpu.memory_space<hbm>>
    tpu.wait_dma2 semaphore(%arg13 : memref<!tpu.dma_semaphore, #tpu.memory_space<semaphore_mem>>) src(%arg9 : memref<1000x64xbf16, #tpu.memory_space<vmem>>) dst(%dma_wait3A_59 : memref<1000x64xbf16, #tpu.memory_space<hbm>>)
    %add3A_60 = arith.constant 24000 : i32
    %add3A_61 = arith.addi %add3A_33, %add3A_60 : i32
    %dma_wait3A_62 = arith.constant 0 : i32
    %dma_wait3A_63 = tpu.memref_slice %arg5[%add3A_61, %dma_wait3A_62] : memref<1600000x64xbf16, #tpu.memory_space<hbm>> -> memref<1000x64xbf16, #tpu.memory_space<hbm>>
    %dma_wait3A_64 = arith.constant 0 : i32
    %dma_wait3A_65 = tpu.memref_slice %arg5[%add3A_61, %dma_wait3A_64] : memref<1600000x64xbf16, #tpu.memory_space<hbm>> -> memref<1000x64xbf16, #tpu.memory_space<hbm>>
    tpu.wait_dma2 semaphore(%arg12 : memref<!tpu.dma_semaphore, #tpu.memory_space<semaphore_mem>>) src(%arg8 : memref<1000x64xbf16, #tpu.memory_space<vmem>>) dst(%dma_wait3A_65 : memref<1000x64xbf16, #tpu.memory_space<hbm>>)
    return
  }
}

</mosaic_0001>

<sc_bundles>
// kernel: _sc_gather.3.cloned.1.call-start
scs
__scs_entry_jumppad:
0x0: {  	(pc) =	sbr.rel $0x88, $3  }
0x1: {  	(tag) =	ssettag $0x0;
	lr =	simm.s32 $0x1  }
0x2: {  	[smem:$0x3F9E] =	sst lr;
	_ =	strace $0xD0000000  }
0x3: {  	_ = 	snop  }
0x4: {  	_ = 	snop  }
0x5: {  	_ = 	snop  }
0x6: {  	_ = 	snop  }
0x7: {  	_ = 	snop  }
__scs_overlays_trampoline_lowered:
0x8: {  	[smem:$0x3FAD] =	sst s0  }
0x9: {  	[smem:$0x3FAE] =	sst s1  }
0xa: {  	[smem:$0x3FAF] =	sst s2  }
0xb: {  	[smem:$0x3FB0] =	sst s3  }
0xc: {  	[smem:$0x3FB1] =	sst s4  }
0xd: {  	[smem:$0x3FB2] =	sst s5  }
0xe: {  	[smem:$0x3FB3] =	sst s6  }
0xf: {  	[smem:$0x3FB4] =	sst s7  }
0x10: {  	[smem:$0x3FB5] =	sst s8  }
0x11: {  	[smem:$0x3FB6] =	sst s9;
	s0 =	simm.s32 @!p0 $0x0  }
0x12: {  	s1 =	sld [smem:$0x3F9C];
	s0 =	simm.s32 @p0 $0x1  }
0x13: {  	[smem:$0x3FB7] =	sst s0;
	s0 =	simm.s32 @!p1 $0x0  }
0x14: {  	s2 =	sld [smem:$0x3F9B];
	s0 =	simm.s32 @p1 $0x1  }
0x15: {  	[smem:$0x3FB8] =	sst s0;
	s0 =	simm.s32 @!p2 $0x0  }
0x16: {  	s3 =	sld [smem:$0x3FDB];
	s0 =	simm.s32 @p2 $0x1  }
0x17: {  	s4 =	simm.s32 $0x1BF5;
	[smem:$0x3FBA] =	sst s0  }
0x18: {  	s0 =	sld [smem:$0x3F9D];
	_ =	swait.ge [sflag:s4], $0x0  }
0x19: {  	s7 =	sld [smem:$0x3F9E]  }
0x1a: {  	s8 =	sadd.s32 $0xFFFFE003, lr  }
0x1b: {  	s9 =	sadd.s32 $0xFFFFFEF7, lr;
	s5 =	simm.s32 $0xFFFFFFFF;
	p2 =	slt.u32 s8, $0xFFFFF086  }
0x1c: {  	p1 =	slt.u32 s9, $0xF7A;
	s5 =	simm.s32 @!p2 $0x0  }
0x1d: {  	s5 =	simm.s32 @p1 $0x1;
	p0 =	seq.s32 s7, s2  }
0x1e: {  	s7 =	smul.u32 @!p0 $0xF7A, s2;
	p2 =	seq.s32 @!p0 s5, $0x0  }
0x1f: {  	s9 =	smul.u32 $0xF7A, s1;
	s8 =	simm.s32 @!p0 $0x1BF5;
	p2 =	por !p2, p0  }
0x20: {  	[sflag:s8] =	ssyncset.s32 @!p0 $0xFFFFF086;
	s6 =	sadd.s32 @!p0 s3, s7;
	s7 =	simm.s32 @!p0 $0x108  }
0x21: {  	s3 =	sadd.s32 s3, s9;
	s6 =	sadd.s32 @!p0 $0x88, s6;
	s7 =	simm.s32 @p2 $0x1082  }
0x22: {  	[simem:s7], [sflag:s8] =	dma.local @!p0 [hbm:s6], $0xF7A  }
0x23: {  	s9 =	sor.u32 $0xD0000000, s2;
	s6 =	simm.s32 $0x108;
	_ =	swait.ge @!p0 [sflag:s8], $0x0  }
0x24: {  	s3 =	sadd.s32 $0x88, s3;
	s6 =	simm.s32 @!p1 $0x1082;
	[sflag:s4] =	ssyncset.s32 $0xFFFFF086  }
0x25: {  	[simem:s6], [sflag:s4] =	dma.local [hbm:s3], $0xF7A  }
0x26: {  	[smem:$0x3F9E] =	sst s1;
	(tag) =	ssettag s2;
	_ =	strace s9  }
0x27: {  	s1 =	sld [smem:$0x3FAE]  }
0x28: {  	s2 =	sld [smem:$0x3FAF]  }
0x29: {  	s4 =	sld [smem:$0x3FB1]  }
0x2a: {  	p0 =	seq.s32 s5, $0x0;
	s5 =	sld [smem:$0x3FB2]  }
0x2b: {  	s6 =	sld [smem:$0x3FB3]  }
0x2c: {  	s7 =	sld [smem:$0x3FB4]  }
0x2d: {  	s3 =	simm.s32 $0x108;
	s8 =	sld [smem:$0x3FB5]  }
0x2e: {  	s3 =	simm.s32 @!p0 $0x1082;
	s9 =	sld [smem:$0x3FB6]  }
0x2f: {  	lr =	sadd.s32 s0, s3;
	s0 =	sld [smem:$0x3FAD]  }
0x30: {  	s3 =	sld [smem:$0x3FB0]  }
0x31: {  	[smem:$0x3FB9] =	sst s10  }
0x32: {  	s10 =	sld [smem:$0x3FB7];
	_ =	sdelay $0x3  }
0x33: {  	p0 =	seq.s32 s10, $0x1;
	s10 =	sld [smem:$0x3FB9];
	_ =	sdelay $0x3  }
0x34: {  	[smem:$0x3FB9] =	sst s10  }
0x35: {  	s10 =	sld [smem:$0x3FB8];
	_ =	sdelay $0x3  }
0x36: {  	p1 =	seq.s32 s10, $0x1;
	s10 =	sld [smem:$0x3FB9];
	_ =	sdelay $0x3  }
0x37: {  	[smem:$0x3FB9] =	sst s10  }
0x38: {  	s10 =	sld [smem:$0x3FBA]  }
0x39: {  	_ = 	snop;
	(pc) =	sbr.ind lr, $3  }
0x3a: {  	_ = 	snop  }
0x3b: {  	_ = 	snop  }
0x3c: {  	p2 =	seq.s32 s10, $0x1;
	s10 =	sld [smem:$0x3FB9]  }
0x3d: {  	_ =	shalt  }
0x3e: {  	_ =	shalt  }
0x3f: {  	_ =	shalt  }
0x40: {  	_ =	shalt  }
0x41: {  	_ =	shalt  }
0x42: {  	_ =	shalt  }
0x43: {  	_ =	shalt  }
0x44: {  	_ =	shalt  }
0x45: {  	_ =	shalt  }
0x46: {  	_ =	shalt  }
0x47: {  	_ =	shalt  }
0x48: {  	_ =	shalt  }
0x49: {  	_ =	shalt  }
0x4a: {  	_ =	shalt  }
0x4b: {  	_ =	shalt  }
0x4c: {  	_ =	shalt  }
0x4d: {  	_ =	shalt  }
0x4e: {  	_ =	shalt  }
0x4f: {  	_ =	shalt  }
0x50: {  	_ =	shalt  }
0x51: {  	_ =	shalt  }
0x52: {  	_ =	shalt  }
0x53: {  	_ =	shalt  }
0x54: {  	_ =	shalt  }
0x55: {  	_ =	shalt  }
0x56: {  	_ =	shalt  }
0x57: {  	_ =	shalt  }
0x58: {  	_ =	shalt  }
0x59: {  	_ =	shalt  }
0x5a: {  	_ =	shalt  }
0x5b: {  	_ =	shalt  }
0x5c: {  	_ =	shalt  }
0x5d: {  	_ =	shalt  }
0x5e: {  	_ =	shalt  }
0x5f: {  	_ =	shalt  }
0x60: {  	_ =	shalt  }
0x61: {  	_ =	shalt  }
0x62: {  	_ =	shalt  }
0x63: {  	_ =	shalt  }
0x64: {  	_ =	shalt  }
0x65: {  	_ =	shalt  }
0x66: {  	_ =	shalt  }
0x67: {  	_ =	shalt  }
0x68: {  	_ =	shalt  }
0x69: {  	_ =	shalt  }
0x6a: {  	_ =	shalt  }
0x6b: {  	_ =	shalt  }
0x6c: {  	_ =	shalt  }
0x6d: {  	_ =	shalt  }
0x6e: {  	_ =	shalt  }
0x6f: {  	_ =	shalt  }
0x70: {  	_ =	shalt  }
0x71: {  	_ =	shalt  }
0x72: {  	_ =	shalt  }
0x73: {  	_ =	shalt  }
0x74: {  	_ =	shalt  }
0x75: {  	_ =	shalt  }
0x76: {  	_ =	shalt  }
0x77: {  	_ =	shalt  }
0x78: {  	_ =	shalt  }
0x79: {  	_ =	shalt  }
0x7a: {  	_ =	shalt  }
0x7b: {  	_ =	shalt  }
0x7c: {  	_ =	shalt  }
0x7d: {  	_ =	shalt  }
0x7e: {  	_ =	shalt  }
0x7f: {  	_ =	shalt  }
0x80: {  	_ =	shalt  }
0x81: {  	_ =	shalt  }
0x82: {  	_ =	shalt  }
0x83: {  	_ =	shalt  }
0x84: {  	_ =	shalt  }
0x85: {  	_ =	shalt  }
0x86: {  	_ =	shalt  }
0x87: {  	_ =	shalt  }
.Lfunc_end0:
.L_simem_size_0:
called_computation.2_lowered:
.L_overlay_start_0:
0x88: {  	s2 =	sld [smem:$0x3FD9]  }
0x89: {  	s3 =	sld [smem:$0x3FFE];
	_ =	sdelay $0x1  }
0x8a: {  	s1 =	srdreg.scid  }
0x8b: {  	s0 =	sand.u32 $0x1, s1  }
0x8c: {  	s17 =	sshll.u32 s0, $0xA;
	s2 =	sadd.s32 s3, s2  }
0x8d: {  	s2 =	sadd.s32 s2, s17  }
0x8e: {  	[smem:$0x3FC5] =	sst s2  }
0x8f: {  	_ = 	snop  }
0x90: {  	s2 =	sld [smem:$0x3FC8]  }
0x91: {  	s18 =	sld [smem:$0x3FC7];
	(tm) =	ssettm $0x1  }
0x92: {  	s4 =	sld [smem:$0x3FFB];
	_ =	sdelay $0x3  }
0x93: {  	_ =	strace s4  }
0x94: {  	s4 =	sld [smem:$0x3FFC];
	_ =	sdelay $0x3  }
0x95: {  	_ =	strace s4  }
0x96: {  	s4 =	sld [smem:$0x3FFD];
	_ =	sdelay $0x3  }
0x97: {  	_ =	strace s4  }
0x98: {  	_ =	strace $0x8FFFFFFF  }
0x99: {  	s19 =	sld [smem:$0x3FDB];
	_ =	sdelay $0x1  }
0x9a: {  	s5 =	simm.s32 $_scs_section_size  }
0x9b: {  	s6 =	simm.s32 $_size__tile_overlayer_lowered;
	s7 =	simm.s32 $_tile_overlayer_lowered  }
0x9c: {  	s22 =	simm.s32 $0x1BFF;
	s21 =	sshll.u32 s7, $0x1;
	s4 =	sadd.s32 s5, s19  }
0x9d: {  	s8 =	simm.s32 $0x0;
	s20 =	sshll.u32 s6, $0x1;
	s6 =	sadd.s32 s21, s4  }
0x9e: {  	[timem:s8], [sflag:s22] =	dma.local [hbm:s6], s20  }
0x9f: {  	_ =	swait.ge [sflag:s22], s20  }
0xa0: {  	s5 =	ssub.s32 $0x0, s20;
	[sflag:s22] =	ssyncset.done $0x0  }
0xa1: {  	[sflag:s22] =	ssyncadd.s32 s5;
	_ =	sdelay $0x1  }
0xa2: {  	s23 =	simm.s32 $0x1B8B  }
0xa3: {  	_ =	swait.ge [sflag:s23], $0x1  }
0xa4: {  	[sflag:s23] =	ssyncset.done $0x0  }
0xa5: {  	s25 =	simm.s32 $0x1B8E;
	s24 =	sld [smem:$0x3FFE];
	[sflag:s23] =	ssyncadd.s32 $0xFFFFFFFF  }
0xa6: {  	s26 =	simm.s32 $execute0_lowered;
	[smem:$0x3FD2] =	sst s25  }
0xa7: {  	s6 =	sshll.u32 s26, $0x1;
	_ =	strace $0x80000049;
	[dreg:$0x1] =	wrdreg $0xFFFFFFFF  }
0xa8: {  	s28 =	simm.s32 $_size_execute0_lowered;
	s4 =	sadd.s32 s4, s6;
	[dreg:$0x0] =	wrdreg $0x0  }
0xa9: {  	s6 =	sshll.u32 s28, $0x1;
	[dreg:$0x2] =	wrdreg s4  }
0xaa: {  	[dreg:$0x3] =	wrdreg s6  }
0xab: {  	[dreg:$0x4] =	wrdreg $0xC0  }
0xac: {  	_ =	task [dreg:s8], $0x5FFFF  }
0xad: {  	[dreg:$0x1] =	wrdreg $0xFFFFFFFF  }
0xae: {  	[dreg:$0x0] =	wrdreg $0x60  }
0xaf: {  	[dreg:$0x2] =	wrdreg s24  }
0xb0: {  	[dreg:$0x3] =	wrdreg s2  }
0xb1: {  	[dreg:$0x4] =	wrdreg s18  }
0xb2: {  	[dreg:$0x5] =	wrdreg $0x9  }
0xb3: {  	_ =	task.clear_ibuf [dreg:s8], $0x6FFFF;
	_ =	strace $0x90000049  }
0xb4: {  	s29 =	simm.s32 $0x9;
	_ =	strace $0x8000004B  }
0xb5: {  	_ =	swait.ge [sflag:s29], $0x1  }
0xb6: {  	[sflag:s29] =	ssyncadd.s32 $0xFFFFFFFF  }
0xb7: {  	_ =	strace $0x9000004B  }
0xb8: {  	_ =	sfence  }
0xb9: {  	s30 =	sld [smem:$0x0];
	_ =	sdelay $0x2  }
0xba: {  	s31 =	sshll.u32 s1, $0xD;
	s1 =	sshrl.u32 s1, $0x2  }
0xbb: {  	s3 =	sand.u32 $0x4000, s31;
	s1 =	sadd.s32 s1, s30  }
0xbc: {  	s0 =	sor.u32 s3, s0;
	s1 =	sshll.u32 s1, $0x11  }
0xbd: {  	s0 =	sor.u32 s1, s0  }
0xbe: {  	s0 =	sadd.s32 $0x8F2B, s0  }
0xbf: {  	[sflag:s0] =	ssyncadd.remote.s32 $0x1  }
0xc0: {  	_ =	sfence.sel $0xFFFF  }
0xc1: {  	[dreg:$0x0] =	wrdreg $0xFFFFFFFF;
	(pc) =	sbr.abs _section_cstart, $3  }
0xc2: {  	[dreg:$0x1] =	wrdreg $0xFFFFFFFF  }
0xc3: {  	_ =	task.clear_ibuf [dreg:s8], $0x2FFFF;
	_ =	strace $0x9FFFFFFF  }
0xc4: {  	(tm) =	ssettm $0x7FFFFFFF  }
0xc5: {  	_ =	shalt  }
tec
execute0_lowered:
.L_overlay_start_1:
0x0: {  	(tag) =	ssettag $0x1  }
0x1: {  	s0 =	rddreg [dreg:$0x0]  }
0x2: {  	s14 =	rddreg [dreg:$0x1]  }
0x3: {  	s16 =	rddreg [dreg:$0x2]  }
0x4: {  	s3 =	srdreg.scid;
	s1 =	stileid.u32  }
0x5: {  	s2 =	simm.s32 $0x0;
	s19 =	simm.s32 $0x7D0;
	s20 =	simm.s32 $0x84D0  }
0x6: {  	s21 =	simm.s32 $0x1;
	s22 =	simm.s32 $0x4;
	s23 =	simm.s32 $0x3  }
0x7: {  	s6 =	sand.u32 $0x1, s3;
	s25 =	sshll.u32 s1, $0x1;
	s12 =	smul.u32 $0xC350, s1  }
0x8: {  	s24 =	simm.s32 $0x0;
	s8 =	sor.u32 s6, s25;
	s13 =	smul.u32 $0x61A8, s6  }
0x9: {  	[smem:$0x7FF] =	sst s2;
	s3 =	sadd.s32 $0xC00, s0;
	s5 =	smul.u32 $0x186A00, s8  }
0xa: {  	s0 =	sadd.s32 $0x30E000, s0;
	s4 =	ssub.s32 $0x2, s6;
	s9 =	smul.u32 $0x61A8, s8  }
0xb: {  	_ =	strace $0x8000004A;
	s7 =	sshrl.u32 s4, $0x1;
	s30 =	smul.u32 $0x186A0, s8  }
0xc: {  	s10 =	ssub.s32 s4, s7;
	s13 =	sadd.s32 s13, s12;
	s26 =	sshrl.u32 s5, $0x4  }
0xd: {  	s28 =	sshrl.u32 s9, $0x3;
	s8 =	smax.u32 s10, $0x1;
	s9 =	sadd.s32 $0x3E8, s9  }
0xe: {  	s15 =	sshll.u32 s13, $0x2;
	s13 =	sadd.s32 $0x7D0, s13;
	s11 =	sadd.s32 s0, s26  }
0xf: {  	s29 =	sadd.s32 s14, s28;
	s6 =	sadd.s32 s16, s28;
	s31 =	sshrl.u32 s9, $0x3  }
0x10: {  	s9 =	sadd.s32 s0, s30;
	s17 =	sadd.s32 $0x10000FA0, s15;
	s15 =	sadd.s32 $0x1030E3A0, s15  }
0x11: {  	s18 =	sshrl.u32 s13, $0x3;
	[dreg:$0x4] =	wrdreg s29;
	s5 =	sadd.s32 $0x17700, s11  }
0x12: {  	s7 =	sadd.s32 $0x324B00, s11;
	s10 =	sadd.s32 s14, s31;
	s11 =	sadd.s32 $0x30D400, s9  }
0x13: {  	s12 =	sadd.s32 s16, s31;
	s17 =	sand.u32 $0xFFFFE0, s17;
	s15 =	sand.u32 $0xFFFFE0, s15  }
0x14: {  	s14 =	sadd.s32 s18, s14;
	s16 =	sadd.s32 s18, s16;
	s18 =	simm.s32 $0x3E8  }
0x15: {  	s13 =	sadd.s32 s17, s0;
	s15 =	sadd.s32 s15, s0;
	s17 =	simm.s32 $0x5  }
.LBB2_1:
0x16: {  	s0 =	rddreg [dreg:$0x4]  }
0x17: {  	[tilespmem:s2], [sflag:$0x5] =	stream.linear.gather [hbm4b:s0+s2], $0x3E8, $0x38;
	[tilespmem:$0x101D0] =	vst v63  }
0x18: {  	_ =	swait.ge [sflag:s17], $0x3E8  }
0x19: {  	[sflag:s17] =	ssyncset.done $0x0  }
0x1a: {  	[sflag:s17] =	ssyncadd.s32 $0xFFFFFC18  }
0x1b: {  	[tilespmem:s19], [sflag:$0x1] =	stream.indirect.gather [hbm4b:s3+s18], $0x20, s2, s18, $0xb8;
	[tilespmem:$0x101D0] =	vst v63  }
0x1c: {  	_ = 	snop  }
0x1d: {  	[tilespmem:s18], [sflag:$0x5] =	stream.linear.gather [hbm4b:s10+s2], $0x3E8, $0x38;
	[tilespmem:$0x101D0] =	vst v63  }
0x1e: {  	_ =	swait.ge [sflag:s17], $0x3E8  }
0x1f: {  	[sflag:s17] =	ssyncset.done $0x0  }
0x20: {  	s26 =	simm.s32 $0x2;
	[sflag:s17] =	ssyncadd.s32 $0xFFFFFC18  }
0x21: {  	[tilespmem:s20], [sflag:$0x2] =	stream.indirect.gather [hbm4b:s3+s18], $0x20, s18, s18, $0xb8;
	[tilespmem:$0x101D0] =	vst v63  }
0x22: {  	s0 =	sand.u32 $0x1, s26;
	_ =	swait.ge [sflag:s21], $0x7D00  }
0x23: {  	p0 =	seq.s32 s0, $0x1;
	[sflag:s21] =	ssyncset.done $0x0  }
0x24: {  	s0 =	simm.s32 @p0 $0x4;
	[sflag:s21] =	ssyncadd.s32 $0xFFFF8300  }
0x25: {  	[hbm4b:s9+s2] =	stream.linear.scatter [tilespmem:s19], [sflag:$0x3], $0x7D00, $0x38;
	[tilespmem:$0x101D0] =	vst v63  }
0x26: {  	_ =	swait.ge @p0 [sflag:s0], $0x7D00  }
0x27: {  	s25 =	simm.s32 @p0 $0x5;
	[sflag:s0] =	ssyncset.done @p0 $0x0;
	p0 =	por p0, p0  }
0x28: {  	[sflag:s0] =	ssyncadd.s32 @p0 $0xFFFF8300;
	s0 =	simm.s32 @p0 $0x0;
	s26 =	simm.s32 @p0 $0x3E8  }
0x29: {  	[tilespmem:s26], [sflag:$0x5] =	stream.linear.gather @p0 [hbm4b:s14+s0], $0x3E8, $0x38;
	[tilespmem:$0x101D0] =	vst v63  }
0x2a: {  	_ =	swait.ge @p0 [sflag:s25], $0x3E8  }
0x2b: {  	[sflag:s25] =	ssyncset.done @p0 $0x0  }
0x2c: {  	s28 =	simm.s32 @p0 $0x1;
	[sflag:s25] =	ssyncadd.s32 @p0 $0xFFFFFC18;
	s25 =	simm.s32 @p0 $0x84D0  }
0x2d: {  	[tilespmem:s25], [sflag:$0x2] =	stream.indirect.gather @p0 [hbm4b:s3+s26], $0x20, s26, s26, $0xb8;
	[tilespmem:$0x101D0] =	vst v63  }
0x2e: {  	_ =	swait.ge @p0 [sflag:s28], $0x7D00  }
0x2f: {  	[sflag:s28] =	ssyncset.done @p0 $0x0  }
0x30: {  	s25 =	simm.s32 @p0 $0x7D0;
	s26 =	simm.s32 @!p0 $0x3;
	[sflag:s28] =	ssyncadd.s32 @p0 $0xFFFF8300  }
0x31: {  	[hbm4b:s13+s0] =	stream.linear.scatter @p0 [tilespmem:s25], [sflag:$0x3], $0x7D00, $0x38;
	[tilespmem:$0x101D0] =	vst v63  }
0x32: {  	s1 =	simm.s32 $0x3;
	_ =	swait.ge @!p0 [sflag:s26], $0x7D00  }
0x33: {  	s4 =	sand.u32 $0x1, s1;
	[sflag:s26] =	ssyncset.done @!p0 $0x0  }
0x34: {  	s30 =	simm.s32 @!p0 $0x0;
	s0 =	simm.s32 @!p0 $0x5;
	[sflag:s26] =	ssyncadd.s32 @!p0 $0xFFFF8300  }
0x35: {  	[tilespmem:s30], [sflag:$0x5] =	stream.linear.gather @!p0 [hbm4b:s14+s30], $0x3E8, $0x38;
	[tilespmem:$0x101D0] =	vst v63  }
0x36: {  	p2 =	seq.s32 s4, $0x1;
	_ =	swait.ge @!p0 [sflag:s0], $0x3E8  }
0x37: {  	s31 =	simm.s32 @!p0 $0x2;
	s29 =	simm.s32 @!p0 $0x7D0;
	[sflag:s0] =	ssyncset.done @!p0 $0x0  }
0x38: {  	s28 =	simm.s32 $0x4;
	[sflag:s0] =	ssyncadd.s32 @!p0 $0xFFFFFC18;
	s0 =	simm.s32 @!p0 $0x3E8  }
0x39: {  	[tilespmem:s29], [sflag:$0x1] =	stream.indirect.gather @!p0 [hbm4b:s3+s0], $0x20, s30, s0, $0xb8;
	[tilespmem:$0x101D0] =	vst v63  }
0x3a: {  	s25 =	sadd.s32 $0xFA0, s13;
	s26 =	sadd.s32 $0x7D, s14;
	_ =	swait.ge @!p0 [sflag:s31], $0x7D00  }
0x3b: {  	s0 =	simm.s32 @!p0 $0x84D0;
	s29 =	smov.u32 s13;
	[sflag:s31] =	ssyncset.done @!p0 $0x0  }
.LBB2_2:
0x3c: {  	s1 =	simm.s32 @p2 $0x4  }
0x3d: {  	[sflag:s31] =	ssyncadd.s32 @!p0 $0xFFFF8300;
	s4 =	smov.u32 s28;
	s28 =	sadd.s32 $0x1, s28  }
0x3e: {  	[hbm4b:s29+s30] =	stream.linear.scatter @!p0 [tilespmem:s0], [sflag:$0x4], $0x7D00, $0x38;
	[tilespmem:$0x101D0] =	vst v63  }
0x3f: {  	p1 =	sne.s32 s28, $0x19;
	s29 =	smov.u32 s25;
	_ =	swait.ge @p2 [sflag:s1], $0x7D00  }
0x40: {  	s0 =	simm.s32 @p2 $0x5;
	p0 =	por p2, p2;
	[sflag:s1] =	ssyncset.done @p2 $0x0  }
0x41: {  	s30 =	simm.s32 @p0 $0x3E8;
	[sflag:s1] =	ssyncadd.s32 @p0 $0xFFFF8300;
	s1 =	simm.s32 @p0 $0x0  }
0x42: {  	[tilespmem:s30], [sflag:$0x5] =	stream.linear.gather @p0 [hbm4b:s26+s1], $0x3E8, $0x38;
	[tilespmem:$0x101D0] =	vst v63  }
0x43: {  	_ =	swait.ge @p0 [sflag:s0], $0x3E8  }
0x44: {  	[sflag:s0] =	ssyncset.done @p0 $0x0  }
0x45: {  	s31 =	simm.s32 @p0 $0x1;
	[sflag:s0] =	ssyncadd.s32 @p0 $0xFFFFFC18;
	s0 =	simm.s32 @p0 $0x84D0  }
0x46: {  	[tilespmem:s0], [sflag:$0x2] =	stream.indirect.gather @p0 [hbm4b:s3+s30], $0x20, s30, s30, $0xb8;
	[tilespmem:$0x101D0] =	vst v63  }
0x47: {  	_ =	swait.ge @p0 [sflag:s31], $0x7D00  }
0x48: {  	[sflag:s31] =	ssyncset.done @p0 $0x0  }
0x49: {  	s0 =	simm.s32 @p0 $0x7D0;
	s30 =	simm.s32 @!p0 $0x3;
	[sflag:s31] =	ssyncadd.s32 @p0 $0xFFFF8300  }
0x4a: {  	[hbm4b:s25+s1] =	stream.linear.scatter @p0 [tilespmem:s0], [sflag:$0x3], $0x7D00, $0x38;
	[tilespmem:$0x101D0] =	vst v63  }
0x4b: {  	_ =	swait.ge @!p0 [sflag:s30], $0x7D00  }
0x4c: {  	[sflag:s30] =	ssyncset.done @!p0 $0x0  }
0x4d: {  	s0 =	simm.s32 @!p0 $0x5;
	[sflag:s30] =	ssyncadd.s32 @!p0 $0xFFFF8300;
	s30 =	simm.s32 @!p0 $0x0  }
0x4e: {  	[tilespmem:s30], [sflag:$0x5] =	stream.linear.gather @!p0 [hbm4b:s26+s30], $0x3E8, $0x38;
	[tilespmem:$0x101D0] =	vst v63  }
0x4f: {  	s26 =	sadd.s32 $0x7D, s26;
	_ =	swait.ge @!p0 [sflag:s0], $0x3E8  }
.Ltmp0:
0x50: {  	s31 =	simm.s32 @!p0 $0x2;
	[sflag:s0] =	ssyncset.done @!p0 $0x0;
	(pc) =	sbr.rel @p1 .LBB2_2-.Ltmp0, $4  }
0x51: {  	s1 =	simm.s32 @!p0 $0x7D0;
	[sflag:s0] =	ssyncadd.s32 @!p0 $0xFFFFFC18;
	s0 =	simm.s32 @!p0 $0x3E8  }
0x52: {  	[tilespmem:s1], [sflag:$0x1] =	stream.indirect.gather @!p0 [hbm4b:s3+s0], $0x20, s30, s0, $0xb8;
	[tilespmem:$0x101D0] =	vst v63  }
0x53: {  	s25 =	sadd.s32 $0xFA0, s25;
	s0 =	sand.u32 $0x1, s4;
	_ =	swait.ge @!p0 [sflag:s31], $0x7D00  }
0x54: {  	p2 =	seq.s32 s0, $0x1;
	s0 =	simm.s32 @!p0 $0x84D0;
	[sflag:s31] =	ssyncset.done @!p0 $0x0  }
0x55: {  	s1 =	simm.s32 @p2 $0x4;
	[sflag:s31] =	ssyncadd.s32 @!p0 $0xFFFF8300  }
0x56: {  	[hbm4b:s29+s30] =	stream.linear.scatter @!p0 [tilespmem:s0], [sflag:$0x4], $0x7D00, $0x38;
	[tilespmem:$0x101D0] =	vst v63  }
0x57: {  	_ =	swait.ge @p2 [sflag:s1], $0x7D00  }
0x58: {  	s0 =	simm.s32 @p2 $0x5;
	p0 =	por p2, p2;
	[sflag:s1] =	ssyncset.done @p2 $0x0  }
0x59: {  	s4 =	simm.s32 @p0 $0x3E8;
	[sflag:s1] =	ssyncadd.s32 @p0 $0xFFFF8300;
	s1 =	simm.s32 @p0 $0x0  }
0x5a: {  	[tilespmem:s4], [sflag:$0x5] =	stream.linear.gather @p0 [hbm4b:s26+s1], $0x3E8, $0x38;
	[tilespmem:$0x101D0] =	vst v63  }
0x5b: {  	_ =	swait.ge @p0 [sflag:s0], $0x3E8  }
0x5c: {  	[sflag:s0] =	ssyncset.done @p0 $0x0  }
0x5d: {  	s28 =	simm.s32 @p0 $0x1;
	[sflag:s0] =	ssyncadd.s32 @p0 $0xFFFFFC18;
	s0 =	simm.s32 @p0 $0x84D0  }
0x5e: {  	[tilespmem:s0], [sflag:$0x2] =	stream.indirect.gather @p0 [hbm4b:s3+s4], $0x20, s4, s4, $0xb8;
	[tilespmem:$0x101D0] =	vst v63  }
0x5f: {  	_ =	swait.ge @p0 [sflag:s28], $0x7D00  }
0x60: {  	[sflag:s28] =	ssyncset.done @p0 $0x0  }
0x61: {  	s0 =	simm.s32 @p0 $0x7D0;
	s4 =	simm.s32 @!p0 $0x3;
	[sflag:s28] =	ssyncadd.s32 @p0 $0xFFFF8300  }
0x62: {  	[hbm4b:s25+s1] =	stream.linear.scatter @p0 [tilespmem:s0], [sflag:$0x3], $0x7D00, $0x38;
	[tilespmem:$0x101D0] =	vst v63  }
0x63: {  	_ =	swait.ge @!p0 [sflag:s4], $0x7D00  }
0x64: {  	[sflag:s4] =	ssyncset.done @!p0 $0x0  }
0x65: {  	s0 =	simm.s32 @!p0 $0x0;
	s1 =	simm.s32 @!p0 $0x5;
	[sflag:s4] =	ssyncadd.s32 @!p0 $0xFFFF8300  }
0x66: {  	[tilespmem:s0], [sflag:$0x5] =	stream.linear.gather @!p0 [hbm4b:s26+s0], $0x3E8, $0x38;
	[tilespmem:$0x101D0] =	vst v63  }
0x67: {  	_ =	swait.ge @!p0 [sflag:s1], $0x3E8  }
0x68: {  	s4 =	simm.s32 @!p0 $0x2;
	[sflag:s1] =	ssyncset.done @!p0 $0x0  }
0x69: {  	s26 =	simm.s32 @!p0 $0x7D0;
	[sflag:s1] =	ssyncadd.s32 @!p0 $0xFFFFFC18;
	s1 =	simm.s32 @!p0 $0x3E8  }
0x6a: {  	[tilespmem:s26], [sflag:$0x1] =	stream.indirect.gather @!p0 [hbm4b:s3+s1], $0x20, s0, s1, $0xb8;
	[tilespmem:$0x101D0] =	vst v63  }
0x6b: {  	_ =	swait.ge @!p0 [sflag:s4], $0x7D00  }
0x6c: {  	[sflag:s4] =	ssyncset.done @!p0 $0x0  }
0x6d: {  	s1 =	simm.s32 @!p0 $0x84D0;
	[sflag:s4] =	ssyncadd.s32 @!p0 $0xFFFF8300  }
0x6e: {  	[hbm4b:s25+s0] =	stream.linear.scatter @!p0 [tilespmem:s1], [sflag:$0x4], $0x7D00, $0x38;
	[tilespmem:$0x101D0] =	vst v63  }
0x6f: {  	_ =	swait.ge [sflag:s21], $0x7D00  }
0x70: {  	[sflag:s21] =	ssyncset.done $0x0  }
0x71: {  	[sflag:s21] =	ssyncadd.s32 $0xFFFF8300  }
0x72: {  	[hbm4b:s5+s2] =	stream.linear.scatter [tilespmem:s19], [sflag:$0x3], $0x7D00, $0x38;
	[tilespmem:$0x101D0] =	vst v63  }
0x73: {  	_ =	swait.ge [sflag:s22], $0x7D00  }
0x74: {  	[sflag:s22] =	ssyncset.done $0x0  }
0x75: {  	[sflag:s22] =	ssyncadd.s32 $0xFFFF8300  }
0x76: {  	_ =	swait.ge [sflag:s23], $0x7D00  }
0x77: {  	[sflag:s23] =	ssyncset.done $0x0  }
0x78: {  	[sflag:s23] =	ssyncadd.s32 $0xFFFF8300  }
0x79: {  	[tilespmem:s2], [sflag:$0x5] =	stream.linear.gather [hbm4b:s6+s2], $0x3E8, $0x38;
	[tilespmem:$0x101D0] =	vst v63  }
0x7a: {  	_ =	swait.ge [sflag:s17], $0x3E8  }
0x7b: {  	[sflag:s17] =	ssyncset.done $0x0  }
0x7c: {  	[sflag:s17] =	ssyncadd.s32 $0xFFFFFC18  }
0x7d: {  	[tilespmem:s19], [sflag:$0x1] =	stream.indirect.gather [hbm4b:s3+s18], $0x20, s2, s18, $0xb8;
	[tilespmem:$0x101D0] =	vst v63  }
0x7e: {  	_ = 	snop  }
0x7f: {  	[tilespmem:s18], [sflag:$0x5] =	stream.linear.gather [hbm4b:s12+s2], $0x3E8, $0x38;
	[tilespmem:$0x101D0] =	vst v63  }
0x80: {  	_ =	swait.ge [sflag:s17], $0x3E8  }
0x81: {  	[sflag:s17] =	ssyncset.done $0x0  }
0x82: {  	s4 =	simm.s32 $0x2;
	[sflag:s17] =	ssyncadd.s32 $0xFFFFFC18  }
0x83: {  	[tilespmem:s20], [sflag:$0x2] =	stream.indirect.gather [hbm4b:s3+s18], $0x20, s18, s18, $0xb8;
	[tilespmem:$0x101D0] =	vst v63  }
0x84: {  	s0 =	sand.u32 $0x1, s4;
	_ =	swait.ge [sflag:s21], $0x7D00  }
0x85: {  	p0 =	seq.s32 s0, $0x1;
	[sflag:s21] =	ssyncset.done $0x0  }
0x86: {  	s0 =	simm.s32 @p0 $0x4;
	[sflag:s21] =	ssyncadd.s32 $0xFFFF8300  }
0x87: {  	[hbm4b:s11+s2] =	stream.linear.scatter [tilespmem:s19], [sflag:$0x3], $0x7D00, $0x38;
	[tilespmem:$0x101D0] =	vst v63  }
0x88: {  	_ =	swait.ge @p0 [sflag:s0], $0x7D00  }
0x89: {  	s1 =	simm.s32 @p0 $0x5;
	[sflag:s0] =	ssyncset.done @p0 $0x0;
	p0 =	por p0, p0  }
0x8a: {  	[sflag:s0] =	ssyncadd.s32 @p0 $0xFFFF8300;
	s0 =	simm.s32 @p0 $0x0;
	s4 =	simm.s32 @p0 $0x3E8  }
0x8b: {  	[tilespmem:s4], [sflag:$0x5] =	stream.linear.gather @p0 [hbm4b:s16+s0], $0x3E8, $0x38;
	[tilespmem:$0x101D0] =	vst v63  }
0x8c: {  	_ =	swait.ge @p0 [sflag:s1], $0x3E8  }
0x8d: {  	[sflag:s1] =	ssyncset.done @p0 $0x0  }
0x8e: {  	s25 =	simm.s32 @p0 $0x1;
	[sflag:s1] =	ssyncadd.s32 @p0 $0xFFFFFC18;
	s1 =	simm.s32 @p0 $0x84D0  }
0x8f: {  	[tilespmem:s1], [sflag:$0x2] =	stream.indirect.gather @p0 [hbm4b:s3+s4], $0x20, s4, s4, $0xb8;
	[tilespmem:$0x101D0] =	vst v63  }
0x90: {  	_ =	swait.ge @p0 [sflag:s25], $0x7D00  }
0x91: {  	[sflag:s25] =	ssyncset.done @p0 $0x0  }
0x92: {  	s1 =	simm.s32 @p0 $0x7D0;
	s4 =	simm.s32 @!p0 $0x3;
	[sflag:s25] =	ssyncadd.s32 @p0 $0xFFFF8300  }
0x93: {  	[hbm4b:s15+s0] =	stream.linear.scatter @p0 [tilespmem:s1], [sflag:$0x3], $0x7D00, $0x38;
	[tilespmem:$0x101D0] =	vst v63  }
0x94: {  	_ =	swait.ge @!p0 [sflag:s4], $0x7D00  }
0x95: {  	s29 =	smov.u32 s15;
	[sflag:s4] =	ssyncset.done @!p0 $0x0  }
0x96: {  	s30 =	simm.s32 @!p0 $0x0;
	s0 =	simm.s32 @!p0 $0x5;
	[sflag:s4] =	ssyncadd.s32 @!p0 $0xFFFF8300  }
0x97: {  	[tilespmem:s30], [sflag:$0x5] =	stream.linear.gather @!p0 [hbm4b:s16+s30], $0x3E8, $0x38;
	[tilespmem:$0x101D0] =	vst v63  }
0x98: {  	s28 =	simm.s32 $0x4;
	s26 =	sadd.s32 $0x7D, s16;
	_ =	swait.ge @!p0 [sflag:s0], $0x3E8  }
0x99: {  	s31 =	simm.s32 @!p0 $0x2;
	s25 =	simm.s32 $0x3;
	[sflag:s0] =	ssyncset.done @!p0 $0x0  }
0x9a: {  	s4 =	simm.s32 @!p0 $0x7D0;
	[sflag:s0] =	ssyncadd.s32 @!p0 $0xFFFFFC18;
	s0 =	simm.s32 @!p0 $0x3E8  }
0x9b: {  	[tilespmem:s4], [sflag:$0x1] =	stream.indirect.gather @!p0 [hbm4b:s3+s0], $0x20, s30, s0, $0xb8;
	[tilespmem:$0x101D0] =	vst v63  }
0x9c: {  	s4 =	sand.u32 $0x1, s25;
	s25 =	sadd.s32 $0xFA0, s15;
	_ =	swait.ge @!p0 [sflag:s31], $0x7D00  }
0x9d: {  	s0 =	simm.s32 @!p0 $0x84D0;
	p2 =	seq.s32 s4, $0x1;
	[sflag:s31] =	ssyncset.done @!p0 $0x0  }
.LBB2_4:
0x9e: {  	s1 =	simm.s32 @p2 $0x4  }
0x9f: {  	[sflag:s31] =	ssyncadd.s32 @!p0 $0xFFFF8300;
	s4 =	smov.u32 s28;
	s28 =	sadd.s32 $0x1, s28  }
0xa0: {  	[hbm4b:s29+s30] =	stream.linear.scatter @!p0 [tilespmem:s0], [sflag:$0x4], $0x7D00, $0x38;
	[tilespmem:$0x101D0] =	vst v63  }
0xa1: {  	p1 =	sne.s32 s28, $0x19;
	s29 =	smov.u32 s25;
	_ =	swait.ge @p2 [sflag:s1], $0x7D00  }
0xa2: {  	s0 =	simm.s32 @p2 $0x5;
	p0 =	por p2, p2;
	[sflag:s1] =	ssyncset.done @p2 $0x0  }
0xa3: {  	s30 =	simm.s32 @p0 $0x3E8;
	[sflag:s1] =	ssyncadd.s32 @p0 $0xFFFF8300;
	s1 =	simm.s32 @p0 $0x0  }
0xa4: {  	[tilespmem:s30], [sflag:$0x5] =	stream.linear.gather @p0 [hbm4b:s26+s1], $0x3E8, $0x38;
	[tilespmem:$0x101D0] =	vst v63  }
0xa5: {  	_ =	swait.ge @p0 [sflag:s0], $0x3E8  }
0xa6: {  	[sflag:s0] =	ssyncset.done @p0 $0x0  }
0xa7: {  	s31 =	simm.s32 @p0 $0x1;
	[sflag:s0] =	ssyncadd.s32 @p0 $0xFFFFFC18;
	s0 =	simm.s32 @p0 $0x84D0  }
0xa8: {  	[tilespmem:s0], [sflag:$0x2] =	stream.indirect.gather @p0 [hbm4b:s3+s30], $0x20, s30, s30, $0xb8;
	[tilespmem:$0x101D0] =	vst v63  }
0xa9: {  	_ =	swait.ge @p0 [sflag:s31], $0x7D00  }
0xaa: {  	[sflag:s31] =	ssyncset.done @p0 $0x0  }
0xab: {  	s0 =	simm.s32 @p0 $0x7D0;
	s30 =	simm.s32 @!p0 $0x3;
	[sflag:s31] =	ssyncadd.s32 @p0 $0xFFFF8300  }
0xac: {  	[hbm4b:s25+s1] =	stream.linear.scatter @p0 [tilespmem:s0], [sflag:$0x3], $0x7D00, $0x38;
	[tilespmem:$0x101D0] =	vst v63  }
0xad: {  	_ =	swait.ge @!p0 [sflag:s30], $0x7D00  }
0xae: {  	[sflag:s30] =	ssyncset.done @!p0 $0x0  }
0xaf: {  	s0 =	simm.s32 @!p0 $0x5;
	[sflag:s30] =	ssyncadd.s32 @!p0 $0xFFFF8300;
	s30 =	simm.s32 @!p0 $0x0  }
0xb0: {  	[tilespmem:s30], [sflag:$0x5] =	stream.linear.gather @!p0 [hbm4b:s26+s30], $0x3E8, $0x38;
	[tilespmem:$0x101D0] =	vst v63  }
0xb1: {  	s26 =	sadd.s32 $0x7D, s26;
	_ =	swait.ge @!p0 [sflag:s0], $0x3E8  }
.Ltmp1:
0xb2: {  	s31 =	simm.s32 @!p0 $0x2;
	[sflag:s0] =	ssyncset.done @!p0 $0x0;
	(pc) =	sbr.rel @p1 .LBB2_4-.Ltmp1, $4  }
0xb3: {  	s1 =	simm.s32 @!p0 $0x7D0;
	[sflag:s0] =	ssyncadd.s32 @!p0 $0xFFFFFC18;
	s0 =	simm.s32 @!p0 $0x3E8  }
0xb4: {  	[tilespmem:s1], [sflag:$0x1] =	stream.indirect.gather @!p0 [hbm4b:s3+s0], $0x20, s30, s0, $0xb8;
	[tilespmem:$0x101D0] =	vst v63  }
0xb5: {  	s25 =	sadd.s32 $0xFA0, s25;
	s0 =	sand.u32 $0x1, s4;
	_ =	swait.ge @!p0 [sflag:s31], $0x7D00  }
0xb6: {  	p2 =	seq.s32 s0, $0x1;
	s0 =	simm.s32 @!p0 $0x84D0;
	[sflag:s31] =	ssyncset.done @!p0 $0x0  }
0xb7: {  	s1 =	simm.s32 @p2 $0x4;
	[sflag:s31] =	ssyncadd.s32 @!p0 $0xFFFF8300  }
0xb8: {  	[hbm4b:s29+s30] =	stream.linear.scatter @!p0 [tilespmem:s0], [sflag:$0x4], $0x7D00, $0x38;
	[tilespmem:$0x101D0] =	vst v63  }
0xb9: {  	_ =	swait.ge @p2 [sflag:s1], $0x7D00  }
0xba: {  	s0 =	simm.s32 @p2 $0x5;
	p0 =	por p2, p2;
	[sflag:s1] =	ssyncset.done @p2 $0x0  }
0xbb: {  	s4 =	simm.s32 @p0 $0x3E8;
	[sflag:s1] =	ssyncadd.s32 @p0 $0xFFFF8300;
	s1 =	simm.s32 @p0 $0x0  }
0xbc: {  	[tilespmem:s4], [sflag:$0x5] =	stream.linear.gather @p0 [hbm4b:s26+s1], $0x3E8, $0x38;
	[tilespmem:$0x101D0] =	vst v63  }
0xbd: {  	_ =	swait.ge @p0 [sflag:s0], $0x3E8  }
0xbe: {  	[sflag:s0] =	ssyncset.done @p0 $0x0  }
0xbf: {  	s28 =	simm.s32 @p0 $0x1;
	[sflag:s0] =	ssyncadd.s32 @p0 $0xFFFFFC18;
	s0 =	simm.s32 @p0 $0x84D0  }
0xc0: {  	[tilespmem:s0], [sflag:$0x2] =	stream.indirect.gather @p0 [hbm4b:s3+s4], $0x20, s4, s4, $0xb8;
	[tilespmem:$0x101D0] =	vst v63  }
0xc1: {  	_ =	swait.ge @p0 [sflag:s28], $0x7D00  }
0xc2: {  	[sflag:s28] =	ssyncset.done @p0 $0x0  }
0xc3: {  	s0 =	simm.s32 @p0 $0x7D0;
	s4 =	simm.s32 @!p0 $0x3;
	[sflag:s28] =	ssyncadd.s32 @p0 $0xFFFF8300  }
0xc4: {  	[hbm4b:s25+s1] =	stream.linear.scatter @p0 [tilespmem:s0], [sflag:$0x3], $0x7D00, $0x38;
	[tilespmem:$0x101D0] =	vst v63  }
0xc5: {  	_ =	swait.ge @!p0 [sflag:s4], $0x7D00  }
0xc6: {  	[sflag:s4] =	ssyncset.done @!p0 $0x0  }
0xc7: {  	s0 =	simm.s32 @!p0 $0x0;
	s1 =	simm.s32 @!p0 $0x5;
	[sflag:s4] =	ssyncadd.s32 @!p0 $0xFFFF8300  }
0xc8: {  	[tilespmem:s0], [sflag:$0x5] =	stream.linear.gather @!p0 [hbm4b:s26+s0], $0x3E8, $0x38;
	[tilespmem:$0x101D0] =	vst v63  }
0xc9: {  	_ =	swait.ge @!p0 [sflag:s1], $0x3E8  }
0xca: {  	s4 =	simm.s32 @!p0 $0x2;
	[sflag:s1] =	ssyncset.done @!p0 $0x0  }
0xcb: {  	s26 =	simm.s32 @!p0 $0x7D0;
	[sflag:s1] =	ssyncadd.s32 @!p0 $0xFFFFFC18;
	s1 =	simm.s32 @!p0 $0x3E8  }
0xcc: {  	[tilespmem:s26], [sflag:$0x1] =	stream.indirect.gather @!p0 [hbm4b:s3+s1], $0x20, s0, s1, $0xb8;
	[tilespmem:$0x101D0] =	vst v63  }
0xcd: {  	_ =	swait.ge @!p0 [sflag:s4], $0x7D00  }
0xce: {  	[sflag:s4] =	ssyncset.done @!p0 $0x0  }
0xcf: {  	s1 =	simm.s32 @!p0 $0x84D0;
	[sflag:s4] =	ssyncadd.s32 @!p0 $0xFFFF8300  }
0xd0: {  	[hbm4b:s25+s0] =	stream.linear.scatter @!p0 [tilespmem:s1], [sflag:$0x4], $0x7D00, $0x38;
	[tilespmem:$0x101D0] =	vst v63  }
0xd1: {  	_ =	swait.ge [sflag:s21], $0x7D00  }
0xd2: {  	[sflag:s21] =	ssyncset.done $0x0  }
0xd3: {  	s24 =	sadd.s32 $0x1, s24;
	[sflag:s21] =	ssyncadd.s32 $0xFFFF8300  }
0xd4: {  	[hbm4b:s7+s2] =	stream.linear.scatter [tilespmem:s19], [sflag:$0x3], $0x7D00, $0x38;
	[tilespmem:$0x101D0] =	vst v63  }
0xd5: {  	p0 =	sne.s32 s24, s8;
	_ =	swait.ge [sflag:s22], $0x7D00  }
.Ltmp2:
0xd6: {  	[sflag:s22] =	ssyncset.done $0x0;
	(pc) =	sbr.rel @p0 .LBB2_1-.Ltmp2, $4  }
0xd7: {  	[sflag:s22] =	ssyncadd.s32 $0xFFFF8300  }
0xd8: {  	_ =	swait.ge [sflag:s23], $0x7D00  }
0xd9: {  	[sflag:s23] =	ssyncset.done $0x0  }
0xda: {  	[sflag:s23] =	ssyncadd.s32 $0xFFFF8300  }
0xdb: {  	_ =	sfence.sel $0x180000  }
0xdc: {  	[bflag:$0x0] =	sbarrier.arrive $0xFFFF  }
0xdd: {  	_ =	strace $0x9000004A  }
0xde: {  	s0 =	stileid.u32;
	[bflag:$0x2] =	sbarrier.arrive $0xFFFF  }
0xdf: {  	p0 =	sne.s32 s0, $0x0;
	s0 =	rddreg [dreg:$0x3]  }
0xe0: {  	s0 =	sadd.s32 @!p0 $0x100000, s0  }
0xe1: {  	[sflag:s0] =	ssyncadd.tile.s32 @!p0 $0x1;
	_ =	shalt  }
.Lfunc_end2:
_tile_overlayer_lowered:
.L_overlay_start_2:
0xe2: {  	(tag) =	ssettag $0x2  }
0xe3: {  	s0 =	rddreg [dreg:$0x0];
	s2 =	stileid.u32  }
0xe4: {  	s1 =	rddreg [dreg:$0x1];
	p0 =	sne.s32 s2, $0x0  }
0xe5: {  	s3 =	rddreg [dreg:$0x2];
	[bflag:$0x3] =	sbarrier.arrive $0xFFFF;
	s2 =	simm.s32 @!p0 $0x1C05  }
0xe6: {  	[timem:s3], [sflag:s2] =	dma.local @!p0 [hbm:s0], s1  }
0xe7: {  	s0 =	simm.s32 @!p0 $0x5  }
0xe8: {  	_ =	swait.ge @!p0 [sflag:s0], s1  }
0xe9: {  	s1 =	ssub.s32 @!p0 $0x0, s1;
	[sflag:s0] =	ssyncset.done @!p0 $0x0  }
0xea: {  	[sflag:s0] =	ssyncadd.s32 @!p0 s1  }
0xeb: {  	[bflag:$0x3] =	sbarrier.arrive $0xFFFF  }
0xec: {  	_ =	shalt  }

// kernel: sparse-core-data-format-call.1.cloned.1.call-start
scs
called_computation.1_lowered:
.L_overlay_start_0:
0x0: {  	s2 =	sld [smem:$0x3FD9]  }
0x1: {  	s3 =	sld [smem:$0x3FFE];
	_ =	sdelay $0x1  }
0x2: {  	s1 =	srdreg.scid  }
0x3: {  	s0 =	sand.u32 $0x1, s1  }
0x4: {  	s18 =	sshll.u32 s0, $0xA;
	s2 =	sadd.s32 s3, s2  }
0x5: {  	s2 =	sadd.s32 s2, s18  }
0x6: {  	[smem:$0x3FC5] =	sst s2  }
0x7: {  	_ = 	snop  }
0x8: {  	s2 =	sld [smem:$0x3FD0];
	(tm) =	ssettm $0x1  }
0x9: {  	s19 =	sld [smem:$0x3FFB];
	_ =	sdelay $0x3  }
0xa: {  	_ =	strace s19  }
0xb: {  	s3 =	sld [smem:$0x3FFC];
	_ =	sdelay $0x3  }
0xc: {  	_ =	strace s3  }
0xd: {  	s3 =	sld [smem:$0x3FFD];
	_ =	sdelay $0x3  }
0xe: {  	_ =	strace s3  }
0xf: {  	_ =	strace $0x8FFFFFFF  }
0x10: {  	s20 =	sld [smem:$0x3FDB];
	_ =	sdelay $0x1  }
0x11: {  	s4 =	simm.s32 $_scs_section_size  }
0x12: {  	s5 =	simm.s32 $_size__tile_overlayer_lowered;
	s6 =	simm.s32 $_tile_overlayer_lowered  }
0x13: {  	s23 =	simm.s32 $0x1BFF;
	s22 =	sshll.u32 s6, $0x1;
	s3 =	sadd.s32 s4, s20  }
0x14: {  	s7 =	simm.s32 $0x0;
	s21 =	sshll.u32 s5, $0x1;
	s5 =	sadd.s32 s22, s3  }
0x15: {  	[timem:s7], [sflag:s23] =	dma.local [hbm:s5], s21  }
0x16: {  	_ =	swait.ge [sflag:s23], s21  }
0x17: {  	s4 =	ssub.s32 $0x0, s21;
	[sflag:s23] =	ssyncset.done $0x0  }
0x18: {  	[sflag:s23] =	ssyncadd.s32 s4;
	_ =	sdelay $0x1  }
0x19: {  	s24 =	simm.s32 $0x1B8B  }
0x1a: {  	_ =	swait.ge [sflag:s24], $0x1  }
0x1b: {  	[sflag:s24] =	ssyncset.done $0x0  }
0x1c: {  	s26 =	simm.s32 $0x1B8E;
	s25 =	sld [smem:$0x3FFE];
	[sflag:s24] =	ssyncadd.s32 $0xFFFFFFFF  }
0x1d: {  	s27 =	simm.s32 $execute0_lowered;
	[smem:$0x3FD2] =	sst s26  }
0x1e: {  	s5 =	sshll.u32 s27, $0x1;
	_ =	strace $0x80000046;
	[dreg:$0x1] =	wrdreg $0xFFFFFFFF  }
0x1f: {  	s28 =	simm.s32 $_size_execute0_lowered;
	s3 =	sadd.s32 s3, s5;
	[dreg:$0x0] =	wrdreg $0x0  }
0x20: {  	s5 =	sshll.u32 s28, $0x1;
	[dreg:$0x2] =	wrdreg s3  }
0x21: {  	[dreg:$0x3] =	wrdreg s5  }
0x22: {  	[dreg:$0x4] =	wrdreg $0xC0  }
0x23: {  	_ =	task [dreg:s7], $0x5FFFF  }
0x24: {  	[dreg:$0x1] =	wrdreg $0xFFFFFFFF  }
0x25: {  	[dreg:$0x0] =	wrdreg $0x60  }
0x26: {  	[dreg:$0x2] =	wrdreg s2  }
0x27: {  	[dreg:$0x3] =	wrdreg s25  }
0x28: {  	[dreg:$0x4] =	wrdreg $0x9  }
0x29: {  	_ =	task.clear_ibuf [dreg:s7], $0x5FFFF;
	_ =	strace $0x90000046  }
0x2a: {  	s29 =	simm.s32 $0x9;
	_ =	strace $0x80000048  }
0x2b: {  	_ =	swait.ge [sflag:s29], $0x1  }
0x2c: {  	[sflag:s29] =	ssyncadd.s32 $0xFFFFFFFF  }
0x2d: {  	_ =	strace $0x90000048  }
0x2e: {  	_ =	sfence  }
0x2f: {  	s30 =	sld [smem:$0x0];
	_ =	sdelay $0x2  }
0x30: {  	s31 =	sshll.u32 s1, $0xD;
	s1 =	sshrl.u32 s1, $0x2  }
0x31: {  	s3 =	sand.u32 $0x4000, s31;
	s1 =	sadd.s32 s1, s30  }
0x32: {  	s0 =	sor.u32 s3, s0;
	s1 =	sshll.u32 s1, $0x11  }
0x33: {  	s0 =	sor.u32 s1, s0  }
0x34: {  	s0 =	sadd.s32 $0x8F2B, s0  }
0x35: {  	[sflag:s0] =	ssyncadd.remote.s32 $0x1  }
0x36: {  	_ =	sfence.sel $0xFFFF  }
0x37: {  	[dreg:$0x0] =	wrdreg $0xFFFFFFFF;
	(pc) =	sbr.abs _section_cstart, $3  }
0x38: {  	[dreg:$0x1] =	wrdreg $0xFFFFFFFF  }
0x39: {  	_ =	task.clear_ibuf [dreg:s7], $0x2FFFF;
	_ =	strace $0x9FFFFFFF  }
0x3a: {  	(tm) =	ssettm $0x7FFFFFFF  }
0x3b: {  	_ =	shalt  }
tec
execute0_lowered:
.L_overlay_start_1:
0x0: {  	(tag) =	ssettag $0x1  }
0x1: {  	s0 =	srdreg.scid;
	s2 =	rddreg [dreg:$0x0]  }
0x2: {  	s5 =	rddreg [dreg:$0x1];
	s1 =	stileid.u32  }
0x3: {  	s4 =	simm.s32 $0x1;
	s6 =	simm.s32 $0x2;
	s0 =	sshll.u32 s0, $0x4  }
0x4: {  	s8 =	simm.s32 $0x0;
	s9 =	simm.s32 $0x0;
	s3 =	sand.u32 $0x10, s0  }
.Ltmp0:
0x5: {  	s13 =	simm.s32 $0x0;
	s3 =	sor.u32 s1, s3;
	(pc) =	sbr.rel .LBB1_1-.Ltmp0, $4  }
0x6: {  	s0 =	rddreg [dreg:$0x2];
	_ =	strace $0x80000047;
	s3 =	sshll.u32 s3, $0x4  }
0x7: {  	s10 =	simm.s32 $0x0;
	[sflag:s4] =	ssyncpa.u1 $0x0;
	s7 =	ssub.s32 $0x61A0, s3  }
0x8: {  	s12 =	simm.s32 $0x0;
	[sflag:s6] =	ssyncpa.u1 $0x0;
	s6 =	sshrl.u32 s7, $0x9  }
0x9: {  	s5 =	sadd.s32 $0xC00, s5;
	s11 =	smov.u32 s3;
	s7 =	sadd.s32 $0x2, s6  }
.LBB1_7:
0xa: {  	s15 =	sshll.u32 s12, $0xF  }
0xb: {  	s15 =	sand.u32 $0x8000, s15  }
0xc: {  	s16 =	sshll.u32 s10, $0x7;
	s15 =	sshrl.u32 s15, $0x1  }
0xd: {  	s16 =	sadd.s32 s5, s16;
	s15 =	sor.u32 $0x8000, s15  }
0xe: {  	[hbm4b:s16+s8] =	stream.linear.scatter [tilespmem:s15], [sflag:$0x2], s14, $0x38;
	[tilespmem:$0x10000] =	vst v63  }
.LBB1_8:
0xf: {  	p0 =	slt.u32 s12, $0x2  }
0x10: {  	p1 =	sgt.s32 @!p0 s13, $0x6198  }
0x11: {  	s14 =	smov.u32 s13;
	s15 =	sshra.s32 @!p0 s13, $0x1F;
	p1 =	por !p1, p0  }
0x12: {  	s13 =	sand.u32 @!p0 s15, s13;
	s14 =	simm.s32 @p1 $0x6198  }
0x13: {  	s13 =	ssub.s32 @!p0 s14, s13  }
0x14: {  	s13 =	sadd.s32 @!p0 $0xFFFF9E68, s13  }
0x15: {  	s14 =	sshll.u32 @!p0 s13, $0xC  }
0x16: {  	p1 =	sgt.s32 @!p0 s13, $0xF;
	s13 =	ssub.s32 @!p0 $0x10000, s14  }
0x17: {  	s15 =	sadd.s32 $0x200, s11;
	p1 =	por !p1, p0;
	s13 =	sshrl.u32 @!p0 s13, $0x2  }
0x18: {  	s13 =	simm.s32 @!p1 $0x0;
	p1 =	sgt.s32 s15, $0x61A7  }
0x19: {  	s15 =	smov.u32 @p1 s3;
	p1 =	sne.s32 s12, s7  }
.Ltmp1:
0x1a: {  	_ = 	snop;
	(pc) =	sbr.rel @!p1 .LBB1_9-.Ltmp1, $4  }
0x1b: {  	s14 =	simm.s32 @!p0 $0x2  }
0x1c: {  	s9 =	sadd.s32 $0x8000, s9;
	_ =	swait.ge @!p0 [sflag:s14], s13;
	s16 =	ssub.s32 @!p0 $0x0, s13  }
0x1d: {  	s13 =	smov.u32 s10;
	s12 =	sadd.s32 $0x1, s12;
	[sflag:s14] =	ssyncset.done @!p0 $0x0  }
0x1e: {  	s10 =	smov.u32 s11;
	s11 =	smov.u32 s15;
	[sflag:s14] =	ssyncadd.s32 @!p0 s16  }
.LBB1_1:
0x1f: {  	p0 =	sgt.u32 s12, s6  }
0x20: {  	p1 =	sgt.s32 @!p0 s11, $0x6198  }
0x21: {  	s14 =	smov.u32 s11;
	s15 =	sshra.s32 @!p0 s11, $0x1F;
	p1 =	por !p1, p0  }
0x22: {  	s15 =	sand.u32 @!p0 s15, s11;
	s14 =	simm.s32 @p1 $0x6198  }
0x23: {  	s14 =	ssub.s32 @!p0 s14, s15  }
0x24: {  	s14 =	sadd.s32 @!p0 $0xFFFF9E68, s14  }
0x25: {  	s16 =	sshll.u32 @!p0 s11, $0x7;
	s17 =	simm.s32 @!p0 $0x0;
	s15 =	sshll.u32 @!p0 s14, $0xC  }
0x26: {  	p1 =	sgt.s32 @!p0 s14, $0xF;
	s14 =	ssub.s32 @!p0 $0x10000, s15;
	s15 =	sxor.u32 @!p0 $0xFFFFFFFF, s12  }
0x27: {  	p1 =	por !p1, p0;
	s14 =	sshrl.u32 @!p0 s14, $0x2;
	s15 =	sshll.u32 @!p0 s15, $0xE  }
0x28: {  	s16 =	sadd.s32 @!p0 s2, s16;
	s14 =	simm.s32 @!p1 $0x0;
	s15 =	sand.u32 @!p0 $0x4000, s15  }
0x29: {  	[tilespmem:s15], [sflag:$0x1] =	stream.linear.gather @!p0 [hbm4b:s16+s17], s14, $0x38;
	[tilespmem:$0x10000] =	vst v63  }
0x2a: {  	p0 =	seq.s32 s12, $0x0  }
0x2b: {  	p1 =	sge.u32 @!p0 s12, s7  }
0x2c: {  	p0 =	por p0, p1  }
.Ltmp2:
0x2d: {  	_ = 	snop;
	(pc) =	sbr.rel @p0 .LBB1_8-.Ltmp2, $1  }
0x2e: {  	_ =	sdelay $0x3  }
0x2f: {  	p0 =	sgt.s32 s10, $0x6198;
	s14 =	smov.u32 s10;
	s15 =	sshra.s32 s10, $0x1F  }
0x30: {  	s14 =	simm.s32 @!p0 $0x6198;
	s15 =	sand.u32 s15, s10  }
0x31: {  	s14 =	ssub.s32 s14, s15  }
0x32: {  	s16 =	sadd.s32 $0x10, s10;
	s14 =	sadd.s32 $0xFFFF9E68, s14  }
0x33: {  	p1 =	slt.s32 s16, $0x61A8;
	s30 =	sshll.u32 s14, $0xC  }
0x34: {  	s16 =	simm.s32 @!p1 $0x61A8;
	s15 =	ssub.s32 $0x10000, s30  }
0x35: {  	p0 =	sgt.s32 s14, $0xF;
	s14 =	sshrl.u32 s15, $0x2;
	s15 =	ssub.s32 s16, s10  }
0x36: {  	s14 =	simm.s32 @p0 $0x0;
	p0 =	slt.s32 s15, $0x1  }
.Ltmp3:
0x37: {  	_ = 	snop;
	(pc) =	sbr.rel @p0 .LBB1_7-.Ltmp3, $4  }
0x38: {  	_ = 	snop  }
0x39: {  	_ =	swait.ge [sflag:s4], s14  }
0x3a: {  	s31 =	ssub.s32 $0x0, s14;
	[sflag:s4] =	ssyncset.done $0x0  }
0x3b: {  	[sflag:s4] =	ssyncadd.s32 s31  }
0x3c: {  	s16 =	sshrl.u32 s9, $0x1  }
0x3d: {  	s17 =	sand.u32 $0x4000, s16  }
0x3e: {  	s18 =	simm.s32 $0x0;
	s16 =	sor.u32 $0x200, s17;
	s17 =	sor.u32 $0x8080, s17  }
.LBB1_4:
0x3f: {  	v0 =	vld [tilespmem:s16+$0xFFFFFE70]  }
0x40: {  	v1 =	vld [tilespmem:s16+$0x70]  }
0x41: {  	v2 =	vld [tilespmem:s16+$0x0]  }
0x42: {  	v3 =	vld [tilespmem:s16+$0xFFFFFE10]  }
0x43: {  	v4 =	vld [tilespmem:s16+$0x10]  }
0x44: {  	v5 =	vld [tilespmem:s16+$0xFFFFFE20]  }
0x45: {  	v7 =	vld [tilespmem:s16+$0x20]  }
0x46: {  	v11 =	vld [tilespmem:s16+$0x30];
	v6 =	vunpack.i.l.s16.s32 v0;
	v8 =	vunpack.i.u.s16.s32 v0;
	v9 =	vunpack.i.u.s16.s32 v1  }
0x47: {  	v10 =	vunpack.i.l.s16.s32 v1;
	v0 =	vunpack.i.u.s16.s32 v2;
	v1 =	vunpack.i.l.s16.s32 v2;
	v2 =	vld [tilespmem:s16+$0xFFFFFE30]  }
0x48: {  	v8 =	vpack.i.b32.b16 v9, v8;
	v9 =	vunpack.i.u.s16.s32 v3;
	v3 =	vunpack.i.l.s16.s32 v3  }
0x49: {  	v12 =	vld [tilespmem:s16+$0xFFFFFE40];
	v6 =	vpack.i.b32.b16 v10, v6;
	[tilespmem:s17+$0x70] =	vst v8;
	v8 =	vunpack.i.u.s16.s32 v4;
	v4 =	vunpack.i.l.s16.s32 v4  }
0x4a: {  	v13 =	vld [tilespmem:s16+$0x40];
	v10 =	vunpack.i.u.s16.s32 v5;
	v5 =	vunpack.i.l.s16.s32 v5;
	[tilespmem:s17+$0xFFFFFFF0] =	vst v6;
	v3 =	vpack.i.b32.b16 v4, v3  }
0x4b: {  	v6 =	vunpack.i.l.s16.s32 v7;
	v4 =	vld [tilespmem:s16+$0xFFFFFE50];
	[tilespmem:s17+$0xFFFFFF90] =	vst v3;
	v3 =	vpack.i.b32.b16 v8, v9;
	v8 =	vunpack.i.u.s16.s32 v7  }
0x4c: {  	v7 =	vunpack.i.l.s16.s32 v11;
	[tilespmem:s17+$0x10] =	vst v3;
	v3 =	vpack.i.b32.b16 v6, v5;
	v9 =	vunpack.i.u.s16.s32 v2;
	v6 =	vld [tilespmem:s16+$0x50]  }
0x4d: {  	v5 =	vunpack.i.l.s16.s32 v2;
	v2 =	vld [tilespmem:s16+$0xFFFFFE60];
	[tilespmem:s17+$0xFFFFFFA0] =	vst v3;
	v3 =	vpack.i.b32.b16 v8, v10;
	v10 =	vunpack.i.u.s16.s32 v11  }
0x4e: {  	s21 =	simm.s32 $0x0;
	v11 =	vpack.i.b32.b16 v7, v5;
	v7 =	vunpack.i.u.s16.s32 v12;
	v8 =	vunpack.i.l.s16.s32 v12;
	[tilespmem:s17+$0x20] =	vst v3;
	v3 =	vld [tilespmem:s16+$0x60]  }
0x4f: {  	s22 =	sadd.s32 $0x80, s16;
	s20 =	smov.u32 s17;
	s19 =	smov.u32 s17;
	v5 =	vld [tilespmem:s16+$0xFFFFFE00];
	[tilespmem:s17+$0xFFFFFFB0] =	vst v11;
	v10 =	vpack.i.b32.b16 v10, v9;
	v9 =	vunpack.i.u.s16.s32 v13;
	v11 =	vunpack.i.l.s16.s32 v13  }
.LBB1_5:
0x50: {  	v12 =	vld [tilespmem:s22+$0xFFFFFE70];
	[tilespmem:s20+$0x30] =	vst v10;
	v8 =	vpack.i.b32.b16 v11, v8;
	v10 =	vunpack.i.u.s16.s32 v4;
	v4 =	vunpack.i.l.s16.s32 v4  }
0x51: {  	s21 =	sadd.s32 $0x2, s21;
	v7 =	vpack.i.b32.b16 v9, v7;
	v11 =	vld [tilespmem:s22+$0x70];
	[tilespmem:s20+$0xFFFFFFC0] =	vst v8;
	v8 =	vunpack.i.u.s16.s32 v6;
	v6 =	vunpack.i.l.s16.s32 v6  }
0x52: {  	p0 =	slt.u32 s21, $0x6;
	v9 =	vld [tilespmem:s22+$0x0];
	[tilespmem:s20+$0x40] =	vst v7;
	v4 =	vpack.i.b32.b16 v6, v4;
	v6 =	vunpack.i.u.s16.s32 v2;
	v2 =	vunpack.i.l.s16.s32 v2  }
0x53: {  	v7 =	vld [tilespmem:s22+$0xFFFFFE10];
	[tilespmem:s20+$0xFFFFFFD0] =	vst v4;
	v4 =	vpack.i.b32.b16 v8, v10;
	v8 =	vunpack.i.u.s16.s32 v3;
	v3 =	vunpack.i.l.s16.s32 v3  }
0x54: {  	v10 =	vld [tilespmem:s22+$0x10];
	v13 =	vunpack.i.u.s16.s32 v5;
	v5 =	vunpack.i.l.s16.s32 v5;
	[tilespmem:s20+$0x50] =	vst v4;
	v2 =	vpack.i.b32.b16 v3, v2  }
0x55: {  	v3 =	vld [tilespmem:s22+$0xFFFFFE20];
	v4 =	vunpack.i.l.s16.s32 v12;
	v1 =	vpack.i.b32.b16 v1, v5;
	v5 =	vpack.i.b32.b16 v0, v13;
	[tilespmem:s20+$0xFFFFFFE0] =	vst v2  }
0x56: {  	v12 =	vunpack.i.u.s16.s32 v12;
	v2 =	vld [tilespmem:s22+$0x20];
	v13 =	vunpack.i.u.s16.s32 v11;
	v11 =	vunpack.i.l.s16.s32 v11;
	[tilespmem:s20+$0xFFFFFF80] =	vst v1  }
0x57: {  	s20 =	sadd.s32 $0x100, s20;
	v0 =	vunpack.i.u.s16.s32 v9;
	v1 =	vunpack.i.l.s16.s32 v9;
	v9 =	vld [tilespmem:s22+$0xFFFFFE30];
	v12 =	vpack.i.b32.b16 v13, v12;
	[tilespmem:s19+$0x0] =	vst v5  }
0x58: {  	v6 =	vpack.i.b32.b16 v8, v6;
	v5 =	vunpack.i.u.s16.s32 v7;
	v7 =	vunpack.i.l.s16.s32 v7;
	v13 =	vld [tilespmem:s22+$0x30];
	[tilespmem:s20+$0x70] =	vst v12  }
0x59: {  	v4 =	vpack.i.b32.b16 v11, v4;
	v8 =	vunpack.i.u.s16.s32 v10;
	v10 =	vunpack.i.l.s16.s32 v10;
	v12 =	vld [tilespmem:s22+$0xFFFFFE40];
	[tilespmem:s19+$0x60] =	vst v6;
	s19 =	smov.u32 s20  }
0x5a: {  	v6 =	vpack.i.b32.b16 v10, v7;
	v7 =	vunpack.i.u.s16.s32 v3;
	v3 =	vunpack.i.l.s16.s32 v3;
	v11 =	vld [tilespmem:s22+$0x40];
	[tilespmem:s20+$0xFFFFFFF0] =	vst v4  }
.Ltmp4:
0x5b: {  	v5 =	vpack.i.b32.b16 v8, v5;
	[tilespmem:s20+$0xFFFFFF90] =	vst v6;
	v8 =	vunpack.i.u.s16.s32 v2;
	v2 =	vunpack.i.l.s16.s32 v2;
	v4 =	vld [tilespmem:s22+$0xFFFFFE50];
	(pc) =	sbr.rel @p0 .LBB1_5-.Ltmp4, $4  }
0x5c: {  	[tilespmem:s20+$0x10] =	vst v5;
	v2 =	vpack.i.b32.b16 v2, v3;
	v10 =	vunpack.i.u.s16.s32 v9;
	v3 =	vunpack.i.l.s16.s32 v9;
	v6 =	vld [tilespmem:s22+$0x50]  }
0x5d: {  	v5 =	vpack.i.b32.b16 v8, v7;
	[tilespmem:s20+$0xFFFFFFA0] =	vst v2;
	v9 =	vunpack.i.u.s16.s32 v13;
	v7 =	vunpack.i.l.s16.s32 v13;
	v2 =	vld [tilespmem:s22+$0xFFFFFE60]  }
0x5e: {  	[tilespmem:s20+$0x20] =	vst v5;
	v13 =	vpack.i.b32.b16 v7, v3;
	v7 =	vunpack.i.u.s16.s32 v12;
	v8 =	vunpack.i.l.s16.s32 v12;
	v3 =	vld [tilespmem:s22+$0x60]  }
0x5f: {  	v10 =	vpack.i.b32.b16 v9, v10;
	v5 =	vld [tilespmem:s22+$0xFFFFFE00];
	[tilespmem:s20+$0xFFFFFFB0] =	vst v13;
	v9 =	vunpack.i.u.s16.s32 v11;
	v11 =	vunpack.i.l.s16.s32 v11;
	s22 =	sadd.s32 $0x80, s22  }
0x60: {  	[tilespmem:s20+$0x30] =	vst v10;
	v8 =	vpack.i.b32.b16 v11, v8  }
0x61: {  	v51 =	vunpack.i.l.s16.s32 v4;
	v7 =	vpack.i.b32.b16 v9, v7;
	[tilespmem:s20+$0xFFFFFFC0] =	vst v8;
	v52 =	vunpack.i.l.s16.s32 v6  }
0x62: {  	v53 =	vunpack.i.u.s16.s32 v4;
	s18 =	sadd.s32 $0x1, s18;
	v54 =	vunpack.i.u.s16.s32 v6;
	[tilespmem:s20+$0x40] =	vst v7;
	v55 =	vpack.i.b32.b16 v52, v51  }
0x63: {  	p0 =	sne.s32 s18, s15;
	v56 =	vunpack.i.l.s16.s32 v2;
	v4 =	vpack.i.b32.b16 v54, v53;
	[tilespmem:s20+$0xFFFFFFD0] =	vst v55;
	v57 =	vunpack.i.l.s16.s32 v3  }
.Ltmp5:
0x64: {  	[tilespmem:s20+$0x50] =	vst v4;
	v58 =	vunpack.i.l.s16.s32 v5;
	v59 =	vpack.i.b32.b16 v57, v56;
	(pc) =	sbr.rel @p0 .LBB1_4-.Ltmp5, $4  }
.Ltmp6:
0x65: {  	v61 =	vunpack.i.u.s16.s32 v2;
	v62 =	vunpack.i.u.s16.s32 v3;
	v1 =	vpack.i.b32.b16 v1, v58;
	[tilespmem:s20+$0xFFFFFFE0] =	vst v59;
	(pc) =	sbr.rel @!p0 .LBB1_7-.Ltmp6, $4  }
0x66: {  	v60 =	vunpack.i.u.s16.s32 v5;
	v63 =	vpack.i.b32.b16 v62, v61;
	[tilespmem:s20+$0xFFFFFF80] =	vst v1  }
0x67: {  	v0 =	vpack.i.b32.b16 v0, v60;
	[tilespmem:s19+$0x60] =	vst v63  }
0x68: {  	s16 =	sadd.s32 $0x400, s16;
	s17 =	sadd.s32 $0x400, s17;
	[tilespmem:s19+$0x0] =	vst v0  }
0x69: {  	_ = 	snop  }
.LBB1_9:
0x6a: {  	_ =	sfence.sel $0x180000  }
0x6b: {  	s2 =	simm.s32 $0x1;
	[bflag:$0x0] =	sbarrier.arrive $0xFFFF  }
0x6c: {  	s31 =	simm.s32 $0x2;
	[sflag:s2] =	ssyncpa.u1 $0x1  }
0x6d: {  	[sflag:s31] =	ssyncpa.u1 $0x1  }
0x6e: {  	p0 =	sne.s32 s1, $0x0;
	_ =	strace $0x90000047  }
0x6f: {  	s0 =	sadd.s32 @!p0 $0x100000, s0;
	[bflag:$0x2] =	sbarrier.arrive $0xFFFF  }
0x70: {  	[sflag:s0] =	ssyncadd.tile.s32 @!p0 $0x1;
	_ =	shalt  }
.Lfunc_end1:
_tile_overlayer_lowered:
.L_overlay_start_2:
0x71: {  	(tag) =	ssettag $0x2  }
0x72: {  	s0 =	rddreg [dreg:$0x0];
	s2 =	stileid.u32  }
0x73: {  	s1 =	rddreg [dreg:$0x1];
	p0 =	sne.s32 s2, $0x0  }
0x74: {  	s3 =	rddreg [dreg:$0x2];
	[bflag:$0x3] =	sbarrier.arrive $0xFFFF;
	s2 =	simm.s32 @!p0 $0x1C01  }
0x75: {  	[timem:s3], [sflag:s2] =	dma.local @!p0 [hbm:s0], s1  }
0x76: {  	s0 =	simm.s32 @!p0 $0x1  }
0x77: {  	_ =	swait.ge @!p0 [sflag:s0], s1  }
0x78: {  	s1 =	ssub.s32 @!p0 $0x0, s1;
	[sflag:s0] =	ssyncset.done @!p0 $0x0  }
0x79: {  	[sflag:s0] =	ssyncadd.s32 @!p0 s1  }
0x7a: {  	[bflag:$0x3] =	sbarrier.arrive $0xFFFF  }
0x7b: {  	_ =	shalt  }

// kernel: sparse-core-data-format-call.cloned.1.call-start
scs
called_computation_lowered:
.L_overlay_start_0:
0x0: {  	s2 =	sld [smem:$0x3FD9]  }
0x1: {  	s3 =	sld [smem:$0x3FFE];
	_ =	sdelay $0x1  }
0x2: {  	s1 =	srdreg.scid  }
0x3: {  	s0 =	sand.u32 $0x1, s1  }
0x4: {  	s18 =	sshll.u32 s0, $0xA;
	s2 =	sadd.s32 s3, s2  }
0x5: {  	s2 =	sadd.s32 s2, s18  }
0x6: {  	[smem:$0x3FC5] =	sst s2  }
0x7: {  	_ = 	snop  }
0x8: {  	s2 =	sld [smem:$0x3FD0];
	(tm) =	ssettm $0x1  }
0x9: {  	s19 =	sld [smem:$0x3FFB];
	_ =	sdelay $0x3  }
0xa: {  	_ =	strace s19  }
0xb: {  	s3 =	sld [smem:$0x3FFC];
	_ =	sdelay $0x3  }
0xc: {  	_ =	strace s3  }
0xd: {  	s3 =	sld [smem:$0x3FFD];
	_ =	sdelay $0x3  }
0xe: {  	_ =	strace s3  }
0xf: {  	_ =	strace $0x8FFFFFFF  }
0x10: {  	s20 =	sld [smem:$0x3FDB];
	_ =	sdelay $0x1  }
0x11: {  	s4 =	simm.s32 $_scs_section_size  }
0x12: {  	s5 =	simm.s32 $_size__tile_overlayer_lowered;
	s6 =	simm.s32 $_tile_overlayer_lowered  }
0x13: {  	s23 =	simm.s32 $0x1BFF;
	s22 =	sshll.u32 s6, $0x1;
	s3 =	sadd.s32 s4, s20  }
0x14: {  	s7 =	simm.s32 $0x0;
	s21 =	sshll.u32 s5, $0x1;
	s5 =	sadd.s32 s22, s3  }
0x15: {  	[timem:s7], [sflag:s23] =	dma.local [hbm:s5], s21  }
0x16: {  	_ =	swait.ge [sflag:s23], s21  }
0x17: {  	s4 =	ssub.s32 $0x0, s21;
	[sflag:s23] =	ssyncset.done $0x0  }
0x18: {  	[sflag:s23] =	ssyncadd.s32 s4;
	_ =	sdelay $0x1  }
0x19: {  	s24 =	simm.s32 $0x1B8B  }
0x1a: {  	_ =	swait.ge [sflag:s24], $0x1  }
0x1b: {  	[sflag:s24] =	ssyncset.done $0x0  }
0x1c: {  	s26 =	simm.s32 $0x1B8E;
	s25 =	sld [smem:$0x3FFE];
	[sflag:s24] =	ssyncadd.s32 $0xFFFFFFFF  }
0x1d: {  	s27 =	simm.s32 $execute0_lowered;
	[smem:$0x3FD2] =	sst s26  }
0x1e: {  	s5 =	sshll.u32 s27, $0x1;
	_ =	strace $0x8000004C;
	[dreg:$0x1] =	wrdreg $0xFFFFFFFF  }
0x1f: {  	s28 =	simm.s32 $_size_execute0_lowered;
	s3 =	sadd.s32 s3, s5;
	[dreg:$0x0] =	wrdreg $0x0  }
0x20: {  	s5 =	sshll.u32 s28, $0x1;
	[dreg:$0x2] =	wrdreg s3  }
0x21: {  	[dreg:$0x3] =	wrdreg s5  }
0x22: {  	[dreg:$0x4] =	wrdreg $0xC0  }
0x23: {  	_ =	task [dreg:s7], $0x5FFFF  }
0x24: {  	[dreg:$0x1] =	wrdreg $0xFFFFFFFF  }
0x25: {  	[dreg:$0x0] =	wrdreg $0x60  }
0x26: {  	[dreg:$0x2] =	wrdreg s25  }
0x27: {  	[dreg:$0x3] =	wrdreg s2  }
0x28: {  	[dreg:$0x4] =	wrdreg $0x9  }
0x29: {  	_ =	task.clear_ibuf [dreg:s7], $0x5FFFF;
	_ =	strace $0x9000004C  }
0x2a: {  	s29 =	simm.s32 $0x9;
	_ =	strace $0x8000004E  }
0x2b: {  	_ =	swait.ge [sflag:s29], $0x1  }
0x2c: {  	[sflag:s29] =	ssyncadd.s32 $0xFFFFFFFF  }
0x2d: {  	_ =	strace $0x9000004E  }
0x2e: {  	_ =	sfence  }
0x2f: {  	s30 =	sld [smem:$0x0];
	_ =	sdelay $0x2  }
0x30: {  	s31 =	sshll.u32 s1, $0xD;
	s1 =	sshrl.u32 s1, $0x2  }
0x31: {  	s3 =	sand.u32 $0x4000, s31;
	s1 =	sadd.s32 s1, s30  }
0x32: {  	s0 =	sor.u32 s3, s0;
	s1 =	sshll.u32 s1, $0x11  }
0x33: {  	s0 =	sor.u32 s1, s0  }
0x34: {  	s0 =	sadd.s32 $0x8F2B, s0  }
0x35: {  	[sflag:s0] =	ssyncadd.remote.s32 $0x1  }
0x36: {  	_ =	sfence.sel $0xFFFF  }
0x37: {  	[dreg:$0x0] =	wrdreg $0xFFFFFFFF;
	(pc) =	sbr.abs _section_cstart, $3  }
0x38: {  	[dreg:$0x1] =	wrdreg $0xFFFFFFFF  }
0x39: {  	_ =	task.clear_ibuf [dreg:s7], $0x2FFFF;
	_ =	strace $0x9FFFFFFF  }
0x3a: {  	(tm) =	ssettm $0x7FFFFFFF  }
0x3b: {  	_ =	shalt  }
tec
execute0_lowered:
.L_overlay_start_1:
0x0: {  	(tag) =	ssettag $0x1  }
0x1: {  	s0 =	srdreg.scid  }
0x2: {  	s1 =	sshll.u32 s0, $0x4  }
0x3: {  	s4 =	rddreg [dreg:$0x0];
	s0 =	stileid.u32;
	s1 =	sand.u32 $0x10, s1  }
0x4: {  	s2 =	rddreg [dreg:$0x1];
	s7 =	simm.s32 $0x1;
	s1 =	sor.u32 s0, s1  }
0x5: {  	s8 =	simm.s32 $0x2;
	s11 =	simm.s32 $0x0;
	s3 =	sshll.u32 s1, $0x7  }
0x6: {  	s10 =	simm.s32 $0x0;
	s4 =	sadd.s32 $0x61B400, s4;
	s6 =	ssub.s32 $0x186A00, s3  }
.Ltmp0:
0x7: {  	s1 =	rddreg [dreg:$0x2];
	s5 =	sand.u32 $0xF80, s6;
	(pc) =	sbr.rel .LBB1_1-.Ltmp0, $4  }
0x8: {  	_ =	strace $0x8000004D;
	s9 =	smov.u32 s3;
	p0 =	sne.s32 s5, $0x0  }
0x9: {  	s6 =	sshrl.u32 s6, $0xC;
	s5 =	simm.s32 $0x1;
	s7 =	simm.s32 @!p0 $0x0  }
0xa: {  	[sflag:s5] =	ssyncpa.u1 $0x0;
	p0 =	por $0x0, $0x0;
	s6 =	sadd.s32 s7, s6  }
0xb: {  	[sflag:s8] =	ssyncpa.u1 $0x0;
	s8 =	simm.s32 $0x61A800;
	s7 =	sadd.s32 $0x1, s6  }
.LBB1_4:
0xc: {  	s14 =	sshll.u32 s11, $0x3  }
0xd: {  	s14 =	sand.u32 $0xFFFFFC00, s14  }
0xe: {  	s16 =	sshrl.u32 s14, $0x9  }
0xf: {  	s16 =	smulhi.u32 $0xA7C5AD, s16  }
0x10: {  	s17 =	sand.u32 $0x7C, s15;
	v2 =	vcombine.high v4, v2;
	[tilespmem:s13+$0x810 ss:$0x81] =	vst.msk $0xffff, v8;
	v3 =	vperm.xlane.i2c.b16 v3;
	s26 =	sand.u32 $0x80, s15;
	s27 =	sshll.u32 s11, $0x1  }
0x11: {  	v1 =	vperm.xlane.i2c.b16 v1;
	[tilespmem:s13+$0x0 ss:$0x81] =	vst.msk $0xffff, v7;
	v60 =	vperm.xlane.i2c.b16 v6;
	s17 =	sshrl.u32 s17, $0x1;
	s15 =	sshrl.u32 s26, $0x1;
	s16 =	sshrl.u32 s16, $0x3  }
0x12: {  	s11 =	sand.u32 $0xFE, s27;
	[tilespmem:s13+$0x811 ss:$0x81] =	vst.msk $0xffff, v5;
	s17 =	sadd.s32 s17, s12;
	v61 =	vcombine.low v3, v0;
	s18 =	smul.u32 $0x186A00, s16  }
0x13: {  	[tilespmem:s13+$0x1 ss:$0x81] =	vst.msk $0xffff, v2;
	s11 =	sor.u32 s11, s14;
	v62 =	vcombine.low v60, v1;
	s28 =	sadd.s32 s15, s17  }
0x14: {  	v1 =	vcombine.high v60, v1;
	[tilespmem:s28+$0x810 ss:$0x81] =	vst.msk $0xffff, v61;
	s29 =	sand.u32 $0x3F, s16;
	s11 =	ssub.s32 s11, s18  }
0x15: {  	v63 =	vcombine.high v3, v0;
	[tilespmem:s28+$0x0 ss:$0x81] =	vst.msk $0xffff, v62;
	s14 =	smul.u32 $0x186A0, s29;
	s30 =	sshrl.u32 s11, $0x4;
	s11 =	sshll.u32 s11, $0x11  }
0x16: {  	[tilespmem:s28+$0x1 ss:$0x81] =	vst.msk $0xffff, v1;
	s15 =	sadd.s32 s2, s30;
	s11 =	sand.u32 $0x1C0000, s11  }
0x17: {  	[tilespmem:s28+$0x811 ss:$0x81] =	vst.msk $0xffff, v63;
	s31 =	sadd.s32 s14, s15;
	s11 =	sor.u32 $0x200, s11  }
0x18: {  	[hbm4b:s31+s11] =	stream.strided.scatter [tilespmem:s12], [sflag:$0x2], $0x1000, s8, s11, $0x20;
	[tilespmem:$0x4040] =	vst v63  }
.LBB1_5:
0x19: {  	s13 =	sadd.s32 $0x1000, s9  }
0x1a: {  	p2 =	sgt.s32 s13, $0x1869FF  }
0x1b: {  	s13 =	smov.u32 @p2 s3;
	p2 =	sne.s32 s10, s7  }
.Ltmp1:
0x1c: {  	p1 =	slt.u32 s10, $0x2;
	(pc) =	sbr.rel @!p2 .LBB1_6-.Ltmp1, $4  }
0x1d: {  	s12 =	simm.s32 @!p1 $0x2  }
0x1e: {  	s14 =	sadd.s32 $0x1, s10;
	_ =	swait.ge @!p1 [sflag:s12], $0x1000  }
0x1f: {  	s11 =	smov.u32 s9;
	p0 =	por !p0, !p0;
	[sflag:s12] =	ssyncset.done @!p1 $0x0  }
0x20: {  	s10 =	smov.u32 s14;
	s9 =	smov.u32 s13;
	[sflag:s12] =	ssyncadd.s32 @!p1 $0xFFFFF000  }
.LBB1_1:
0x21: {  	p1 =	sge.u32 s10, s6  }
0x22: {  	s12 =	sand.u32 @!p1 $0x1FFFFFE, s9  }
0x23: {  	s13 =	smulhi.u32 @!p1 $0x14F8B59, s12;
	_ =	sdelay $0x1  }
0x24: {  	s13 =	sshrl.u32 @!p1 s13, $0xD  }
0x25: {  	s13 =	smul.u32 @!p1 $0x186A00, s13;
	_ =	sdelay $0x1  }
0x26: {  	s31 =	sadd.s32 $0xFFFFFFFF, s10;
	s12 =	ssub.s32 @!p1 s12, s13;
	s13 =	sxor.u32 @!p1 $0xFFFFFFFF, s10  }
0x27: {  	s14 =	simm.s32 @!p1 $0x40;
	s12 =	sshll.u32 @!p1 s12, $0x3;
	s13 =	sshll.u32 @!p1 s13, $0xC  }
0x28: {  	s15 =	simm.s32 @!p1 $0x80;
	s12 =	sadd.s32 @!p1 s4, s12;
	s13 =	sand.u32 @!p1 $0x1000, s13  }
0x29: {  	[tilespmem:s13], [sflag:$0x1] =	stream.strided.gather @!p1 [hbm4b:s12+s14], $0x1000, s15, s14, $0x38;
	[tilespmem:$0x4040] =	vst v63  }
0x2a: {  	p1 =	sge.u32 s31, s6  }
.Ltmp2:
0x2b: {  	_ = 	snop;
	(pc) =	sbr.rel @p1 .LBB1_5-.Ltmp2, $1  }
0x2c: {  	_ =	sdelay $0x3  }
0x2d: {  	s12 =	simm.s32 $0x1  }
0x2e: {  	_ =	swait.ge [sflag:s5], $0x1000;
	s12 =	simm.s32 @!p0 $0x0  }
0x2f: {  	[sflag:s5] =	ssyncset.done $0x0;
	s12 =	sshll.u32 s12, $0xC  }
0x30: {  	[sflag:s5] =	ssyncadd.s32 $0xFFFFF000;
	s12 =	sor.u32 $0x20, s12  }
0x31: {  	v0 =	vld [tilespmem:s12+$0x10]  }
0x32: {  	v1 =	vld [tilespmem:s12+$0xFFFFFFF0]  }
0x33: {  	v4 =	vld [tilespmem:s12+$0xFFFFFFE0]  }
0x34: {  	v3 =	vld [tilespmem:s12+$0x0];
	s15 =	sadd.s32 $0x40, s12  }
0x35: {  	s13 =	sand.u32 $0x1, s10;
	v5 =	vld [tilespmem:s15+$0x10]  }
0x36: {  	s30 =	smul.u32 $0x4080, s13  }
0x37: {  	s31 =	simm.s32 $0x0  }
0x38: {  	s14 =	sand.u32 $0x7C, s31;
	s12 =	sshrl.u32 s30, $0x2;
	v6 =	vld [tilespmem:s15+$0xFFFFFFE0];
	v2 =	vperm.xlane.i2c.b16 v1;
	v4 =	vperm.xlane.i2c.b16 v4  }
0x39: {  	s13 =	sand.u32 $0x80, s31;
	s16 =	sshrl.u32 s14, $0x1;
	s12 =	sor.u32 $0x2000, s12;
	v9 =	vperm.xlane.i2c.b16 v0;
	v10 =	vperm.xlane.i2c.b16 v3;
	v1 =	vld [tilespmem:s15+$0xFFFFFFF0]  }
0x3a: {  	s14 =	simm.s32 $0x2;
	s13 =	sshrl.u32 s13, $0x1;
	s17 =	sadd.s32 s16, s12;
	v3 =	vld [tilespmem:s15+$0x0];
	v0 =	vperm.xlane.i2c.b16 v5;
	v7 =	vcombine.low v4, v2  }
0x3b: {  	s16 =	sadd.s32 $0x40, s15;
	s13 =	sadd.s32 s13, s17;
	s15 =	simm.s32 $0x4;
	v8 =	vcombine.low v10, v9;
	v5 =	vcombine.high v10, v9  }
.LBB1_3:
0x3c: {  	s14 =	sadd.s32 $0x2, s14  }
0x3d: {  	v9 =	vld [tilespmem:s16+$0x10];
	v10 =	vcombine.high v4, v2;
	[tilespmem:s13+$0x810 ss:$0x81] =	vst.msk $0xffff, v8;
	p1 =	slt.u32 s14, $0x7E  }
.Ltmp3:
0x3e: {  	v2 =	vperm.xlane.i2c.b16 v1;
	v1 =	vld [tilespmem:s16+$0xFFFFFFF0];
	[tilespmem:s13+$0x0 ss:$0x81] =	vst.msk $0xffff, v7;
	(pc) =	sbr.rel @p1 .LBB1_3-.Ltmp3, $4  }
0x3f: {  	s17 =	sand.u32 $0x7C, s15;
	v4 =	vperm.xlane.i2c.b16 v6;
	v11 =	vperm.xlane.i2c.b16 v3;
	v3 =	vld [tilespmem:s16+$0x0];
	[tilespmem:s13+$0x1 ss:$0x81] =	vst.msk $0xffff, v10  }
0x40: {  	s18 =	sand.u32 $0x80, s15;
	s17 =	sshrl.u32 s17, $0x1;
	v6 =	vld [tilespmem:s16+$0xFFFFFFE0];
	[tilespmem:s13+$0x811 ss:$0x81] =	vst.msk $0xffff, v5  }
0x41: {  	v7 =	vcombine.low v4, v2;
	v8 =	vcombine.low v11, v0;
	s13 =	sadd.s32 s17, s12;
	s17 =	sshrl.u32 s18, $0x1  }
0x42: {  	s15 =	sadd.s32 $0x4, s15;
	s16 =	sadd.s32 $0x40, s16;
	v5 =	vcombine.high v11, v0;
	s13 =	sadd.s32 s17, s13;
	v0 =	vperm.xlane.i2c.b16 v9  }
.Ltmp4:
0x43: {  	_ = 	snop;
	(pc) =	sbr.rel .LBB1_4-.Ltmp4, $1  }
0x44: {  	_ =	sdelay $0x3  }
.LBB1_6:
0x45: {  	_ =	sfence.sel $0x180000  }
0x46: {  	s2 =	simm.s32 $0x1;
	[bflag:$0x0] =	sbarrier.arrive $0xFFFF  }
0x47: {  	s31 =	simm.s32 $0x2;
	[sflag:s2] =	ssyncpa.u1 $0x1  }
0x48: {  	[sflag:s31] =	ssyncpa.u1 $0x1  }
0x49: {  	p0 =	sne.s32 s0, $0x0;
	_ =	strace $0x9000004D  }
0x4a: {  	s0 =	sadd.s32 @!p0 $0x100000, s1;
	[bflag:$0x2] =	sbarrier.arrive $0xFFFF  }
0x4b: {  	[sflag:s0] =	ssyncadd.tile.s32 @!p0 $0x1;
	_ =	shalt  }
.Lfunc_end1:
_tile_overlayer_lowered:
.L_overlay_start_2:
0x4c: {  	(tag) =	ssettag $0x2  }
0x4d: {  	s0 =	rddreg [dreg:$0x0];
	s2 =	stileid.u32  }
0x4e: {  	s1 =	rddreg [dreg:$0x1];
	p0 =	sne.s32 s2, $0x0  }
0x4f: {  	s3 =	rddreg [dreg:$0x2];
	[bflag:$0x3] =	sbarrier.arrive $0xFFFF;
	s2 =	simm.s32 @!p0 $0x1C01  }
0x50: {  	[timem:s3], [sflag:s2] =	dma.local @!p0 [hbm:s0], s1  }
0x51: {  	s0 =	simm.s32 @!p0 $0x1  }
0x52: {  	_ =	swait.ge @!p0 [sflag:s0], s1  }
0x53: {  	s1 =	ssub.s32 @!p0 $0x0, s1;
	[sflag:s0] =	ssyncset.done @!p0 $0x0  }
0x54: {  	[sflag:s0] =	ssyncadd.s32 @!p0 s1  }
0x55: {  	[bflag:$0x3] =	sbarrier.arrive $0xFFFF  }
0x56: {  	_ =	shalt  }

</sc_bundles>
